<compile_context>
chip_gen: v7x
topology: tpu7x:2x2x1
jax: 0.10.2.dev20260603
libtpu: 0.0.44.dev20260713+nightly
codegen_flags: <defaults>
</compile_context>

<pallas_src>
import functools

import jax
import jax.numpy as jnp
from jax import lax
from jax.experimental import pallas as pl
from jax.experimental.pallas import tpu as pltpu
from jax.experimental.pallas import tpu_sc as plsc

_B, _T, _D, _K = 32, 576, 64, 8192
_N = _B * _T
_TILE_T = 256
_TC_TILES = _N // _TILE_T
_SUB = 256
_NW = 32
_RPW = _N // _NW
_ICH = 96
_NCH = _RPW // _ICH


def _cbnorm_body(cb_ref, cbn_ref, cbnsq_ref):
    x = cb_ref[...]
    n = jnp.sqrt(jnp.sum(x * x, axis=-1, keepdims=True))
    cbn = x / jnp.clip(n, 1e-12)
    cbn_ref[...] = cbn
    cbnsq_ref[...] = jnp.sum(cbn * cbn, axis=-1, keepdims=True)


def _argmin_body(z_ref, cbn_ref, cbnsq_ref, idx_ref):
    zt = z_ref[...]
    nrm = jnp.sqrt(jnp.sum(zt * zt, axis=-1, keepdims=True))
    zn = zt / jnp.clip(nrm, 1e-12)
    znsq = jnp.sum(zn * zn, axis=-1, keepdims=True)
    znsq_row = jnp.transpose(znsq, (1, 0))
    bv = None
    bi = None
    ids0 = lax.broadcasted_iota(
        jnp.int32, (_SUB, _TILE_T), 0).astype(jnp.float32)
    for s in range(_K // _SUB):
        cbs = cbn_ref[pl.ds(s * _SUB, _SUB), :]
        nsq = cbnsq_ref[pl.ds(s * _SUB, _SUB), :]
        dot = lax.dot_general(cbs, zn, (((1,), (1,)), ((), ())))
        d = (znsq_row + nsq) - 2.0 * dot
        m = jnp.min(d, axis=0, keepdims=True)
        ids = ids0 + jnp.float32(s * _SUB)
        ii = jnp.min(jnp.where(d <= m, ids, jnp.float32(_K)),
                     axis=0, keepdims=True)
        if bv is None:
            bv, bi = m, ii
        else:
            take = m < bv
            bv = jnp.where(take, m, bv)
            bi = jnp.where(take, ii, bi)
    idx_ref[...] = bi.astype(jnp.int32).reshape(1, 1, _TILE_T)


def _sc_body(cbn_hbm, idx_hbm, z_hbm, out_hbm, lp_hbm,
             idx_v, rows_v, z_v, lp_v, sem):
    wid = lax.axis_index("s") * 2 + lax.axis_index("c")
    base = wid * _RPW
    pltpu.sync_copy(idx_hbm.at[wid], idx_v)
    copies = []
    for j in range(_NCH):
        copies.append(pltpu.async_copy(
            cbn_hbm.at[idx_v.at[j]],
            rows_v.at[pl.ds(j * _ICH, _ICH)], sem))
    pltpu.sync_copy(z_hbm.at[pl.ds(base, _RPW)], z_v)
    for c in copies:
        c.wait()

    def row(r, acc):
        for cc in range(_D // 16):
            sl = pl.ds(16 * cc, 16)
            q = rows_v[r, sl]
            zz = z_v[r, sl]
            t = q - zz
            rows_v[r, sl] = zz + t
            acc = acc + t * t
        return acc

    acc = lax.fori_loop(0, _RPW, row, jnp.zeros((16,), jnp.float32))
    lp_v[...] = acc
    pltpu.sync_copy(rows_v, out_hbm.at[pl.ds(base, _RPW)])
    pltpu.sync_copy(lp_v, lp_hbm.at[wid])


def _cbnorm_call(codebook):
    return pl.pallas_call(
        _cbnorm_body,
        out_shape=(jax.ShapeDtypeStruct((_K, _D), jnp.float32),
                   jax.ShapeDtypeStruct((_K, 1), jnp.float32)),
    )(codebook)


def _argmin_call(zf, cbn, cbnsq_row):
    return pl.pallas_call(
        _argmin_body,
        grid=(_TC_TILES,),
        in_specs=[
            pl.BlockSpec((_TILE_T, _D), lambda t: (t, 0)),
            pl.BlockSpec((_K, _D), lambda t: (0, 0)),
            pl.BlockSpec((_K, 1), lambda t: (0, 0)),
        ],
        out_specs=pl.BlockSpec((1, 1, _TILE_T), lambda t: (t, 0, 0)),
        out_shape=jax.ShapeDtypeStruct((_TC_TILES, 1, _TILE_T), jnp.int32),
    )(zf, cbn, cbnsq_row)


def _sc_call(cbn, idx3, zf):
    mesh = plsc.VectorSubcoreMesh(core_axis_name="c", subcore_axis_name="s")
    f = pl.kernel(
        _sc_body,
        out_type=(jax.ShapeDtypeStruct((_N, _D), jnp.float32),
                  jax.ShapeDtypeStruct((_NW, 16), jnp.float32)),
        mesh=mesh,
        scratch_types=[
            pltpu.VMEM((_NCH, _ICH), jnp.int32),
            pltpu.VMEM((_RPW, _D), jnp.float32),
            pltpu.VMEM((_RPW, _D), jnp.float32),
            pltpu.VMEM((16,), jnp.float32),
            pltpu.SemaphoreType.DMA,
        ],
        compiler_params=pltpu.CompilerParams(use_tc_tiling_on_sc=False),
    )
    return f(cbn, idx3, zf)


def kernel(z, codebook):
    zf = z.reshape(_N, _D)
    cbn, cbnsq = _cbnorm_call(codebook)
    idx2 = _argmin_call(zf, cbn, cbnsq)
    idx = idx2.reshape(_N)
    out, lp = _sc_call(cbn, idx.reshape(_NW, _NCH, _ICH), zf)
    m = jnp.sum(lp) / (_N * _D)
    loss = m + 0.33 * m
    return out.reshape(z.shape), loss, idx

# --- scband reference (transcript-rebuilt; emitter-appended) ---
"""Pipeline reference for scband-vqmodel-66563403153722 (READ-ONLY COPY).

The authoritative reference and input builder live on the scoring server;
editing this copy changes nothing except your own understanding.
"""

import jax, jax.numpy as jnp
import numpy as np

B, T, D, K = 32, 576, 64, 8192

def _l2norm(x):
    return x / jnp.clip(jnp.linalg.norm(x, axis=-1, keepdims=True), 1e-12)

def setup_inputs(seed: int = 0) -> dict:
    key = jax.random.key(seed)
    k1, k2 = jax.random.split(key)
    z = jax.random.normal(k1, (B, T, D), dtype=jnp.float32)
    # tok_embeddings initialized uniform(-1/K, 1/K) as in tuning_codebook==2
    codebook = jax.random.uniform(k2, (K, D), minval=-1.0 / K, maxval=1.0 / K, dtype=jnp.float32)
    return {"z": z, "codebook": codebook}

def reference(z, codebook):
    e_dim = z.shape[-1]
    z_flat = z.reshape(-1, e_dim)
    z_n = _l2norm(z_flat)
    cb_n = _l2norm(codebook)
    # d = |z|^2 + |e|^2 - 2 z e^T
    d = (jnp.sum(z_n ** 2, axis=1, keepdims=True)
         + jnp.sum(cb_n ** 2, axis=1)
         - 2.0 * z_n @ cb_n.T)
    min_encoding_indices = jnp.argmin(d, axis=1)
    z_q = jnp.take(cb_n, min_encoding_indices, axis=0).reshape(z.shape)
    # commitment + codebook loss (non-EMA branch)
    loss = (jnp.mean((jax.lax.stop_gradient(z_q) - z) ** 2)
            + 0.33 * jnp.mean((z_q - jax.lax.stop_gradient(z)) ** 2))
    # straight-through estimator
    z_q_st = z + jax.lax.stop_gradient(z_q - z)
    return z_q_st, loss, min_encoding_indices

if __name__ == "__main__":
    import jax
    _d = setup_inputs()
    print(jax.jit(kernel)(*tuple(_d.values())))

</pallas_src>

<mosaic_0001>
#map = affine_map<(d0, d1) -> (0, 0)>
#map1 = affine_map<(d0, d1) -> (0, 0, 0)>
module attributes {stable_mosaic.version = 14 : i64} {
  func.func @_sc_body(%arg0: i32, %arg1: i32, %arg2: memref<8192x64xf32, #tpu.memory_space<hbm>>, %arg3: memref<32x6x96xi32, #tpu.memory_space<hbm>>, %arg4: memref<18432x64xf32, #tpu.memory_space<hbm>>, %arg5: memref<18432x64xf32, #tpu.memory_space<hbm>>, %arg6: memref<32x16xf32, #tpu.memory_space<hbm>>, %arg7: memref<6x96xi32, #tpu.memory_space<vmem>>, %arg8: memref<576x64xf32, #tpu.memory_space<vmem>>, %arg9: memref<576x64xf32, #tpu.memory_space<vmem>>, %arg10: memref<16xf32, #tpu.memory_space<vmem>>, %arg11: memref<!tpu.dma_semaphore, #tpu.memory_space<semaphore_mem>>) attributes {dimension_semantics = [#tpu.dimension_semantics<core_parallel>, #tpu.dimension_semantics<subcore_parallel>], iteration_bounds = array<i64: 2, 16>, scalar_prefetch = 0 : i64, scratch_operands = 5 : i64, tpu.core_type = #tpu.core_type<sc_vector_subcore>, window_params = [{transform_indices = #map}, {transform_indices = #map1}, {transform_indices = #map}, {transform_indices = #map}, {transform_indices = #map}]} {
    %mul3A = arith.constant 2 : i32
    %mul3A_0 = arith.muli %arg1, %mul3A : i32
    %add3A = arith.addi %mul3A_0, %arg0 : i32
    %mul3A_1 = arith.constant 576 : i32
    %mul3A_2 = arith.muli %add3A, %mul3A_1 : i32
    "tpu.region"() ({
      %run_scoped3A = tpu.sem_alloc : memref<!tpu.dma_semaphore, #tpu.memory_space<semaphore_mem>>
      %dma_start3A_130 = arith.constant 0 : i32
      %dma_start3A_131 = arith.constant 0 : i32
      %dma_start3A_132 = tpu.memref_slice %arg3[%add3A, %dma_start3A_130, %dma_start3A_131] : memref<32x6x96xi32, #tpu.memory_space<hbm>> -> memref<1x6x96xi32, #tpu.memory_space<hbm>>
      %dma_start3A_133 = tpu.memref_squeeze %dma_start3A_132 : memref<1x6x96xi32, #tpu.memory_space<hbm>> -> memref<6x96xi32, #tpu.memory_space<hbm>>
      %dma_start3A_134 = arith.constant 0 : i32
      %dma_start3A_135 = arith.constant 0 : i32
      %dma_start3A_136 = tpu.memref_slice %arg3[%add3A, %dma_start3A_134, %dma_start3A_135] : memref<32x6x96xi32, #tpu.memory_space<hbm>> -> memref<1x6x96xi32, #tpu.memory_space<hbm>>
      %dma_start3A_137 = tpu.memref_squeeze %dma_start3A_136 : memref<1x6x96xi32, #tpu.memory_space<hbm>> -> memref<6x96xi32, #tpu.memory_space<hbm>>
      tpu.enqueue_dma source(%dma_start3A_137 : memref<6x96xi32, #tpu.memory_space<hbm>>) target(%arg7 : memref<6x96xi32, #tpu.memory_space<vmem>>) target_semaphore(%run_scoped3A : memref<!tpu.dma_semaphore, #tpu.memory_space<semaphore_mem>>)
      %dma_wait3A_138 = arith.constant 0 : i32
      %dma_wait3A_139 = arith.constant 0 : i32
      %dma_wait3A_140 = tpu.memref_slice %arg3[%add3A, %dma_wait3A_138, %dma_wait3A_139] : memref<32x6x96xi32, #tpu.memory_space<hbm>> -> memref<1x6x96xi32, #tpu.memory_space<hbm>>
      %dma_wait3A_141 = tpu.memref_squeeze %dma_wait3A_140 : memref<1x6x96xi32, #tpu.memory_space<hbm>> -> memref<6x96xi32, #tpu.memory_space<hbm>>
      %dma_wait3A_142 = arith.constant 0 : i32
      %dma_wait3A_143 = arith.constant 0 : i32
      %dma_wait3A_144 = tpu.memref_slice %arg3[%add3A, %dma_wait3A_142, %dma_wait3A_143] : memref<32x6x96xi32, #tpu.memory_space<hbm>> -> memref<1x6x96xi32, #tpu.memory_space<hbm>>
      %dma_wait3A_145 = tpu.memref_squeeze %dma_wait3A_144 : memref<1x6x96xi32, #tpu.memory_space<hbm>> -> memref<6x96xi32, #tpu.memory_space<hbm>>
      tpu.wait_dma2 semaphore(%run_scoped3A : memref<!tpu.dma_semaphore, #tpu.memory_space<semaphore_mem>>) src(%dma_wait3A_145 : memref<6x96xi32, #tpu.memory_space<hbm>>) dst(%arg7 : memref<6x96xi32, #tpu.memory_space<vmem>>)
      tpu.yield
    }) : () -> ()
    %dma_start3A = arith.constant 0 : i32
    %dma_start3A_3 = arith.constant 0 : i32
    %dma_start3A_4 = arith.constant 0 : i32
    %dma_start3A_5 = tpu.memref_slice %arg8[%dma_start3A_3, %dma_start3A_4] : memref<576x64xf32, #tpu.memory_space<vmem>> -> memref<96x64xf32, #tpu.memory_space<vmem>>
    %dma_start3A_6 = arith.constant 0 : i32
    %dma_start3A_7 = tpu.memref_slice %arg7[%dma_start3A, %dma_start3A_6] : memref<6x96xi32, #tpu.memory_space<vmem>> -> memref<1x96xi32, #tpu.memory_space<vmem>>
    %dma_start3A_8 = tpu.memref_squeeze %dma_start3A_7 : memref<1x96xi32, #tpu.memory_space<vmem>> -> memref<96xi32, #tpu.memory_space<vmem>>
    %dma_start3A_9 = arith.constant 0 : i32
    %dma_start3A_10 = arith.constant 0 : i32
    %dma_start3A_11 = tpu.memref_slice %arg2[%dma_start3A_9, %dma_start3A_10] : memref<8192x64xf32, #tpu.memory_space<hbm>> -> memref<8192x64xf32, #tpu.memory_space<hbm>>
    tpu.enqueue_indirect_dma source(%dma_start3A_11 : memref<8192x64xf32, #tpu.memory_space<hbm>>) target(%dma_start3A_5 : memref<96x64xf32, #tpu.memory_space<vmem>>) offsets(%dma_start3A_8 : memref<96xi32, #tpu.memory_space<vmem>>) semaphore(%arg11 : memref<!tpu.dma_semaphore, #tpu.memory_space<semaphore_mem>>)
    %dma_start3A_12 = arith.constant 1 : i32
    %dma_start3A_13 = arith.constant 96 : i32
    %dma_start3A_14 = arith.constant 0 : i32
    %dma_start3A_15 = tpu.memref_slice %arg8[%dma_start3A_13, %dma_start3A_14] : memref<576x64xf32, #tpu.memory_space<vmem>> -> memref<96x64xf32, #tpu.memory_space<vmem>>
    %dma_start3A_16 = arith.constant 0 : i32
    %dma_start3A_17 = tpu.memref_slice %arg7[%dma_start3A_12, %dma_start3A_16] : memref<6x96xi32, #tpu.memory_space<vmem>> -> memref<1x96xi32, #tpu.memory_space<vmem>>
    %dma_start3A_18 = tpu.memref_squeeze %dma_start3A_17 : memref<1x96xi32, #tpu.memory_space<vmem>> -> memref<96xi32, #tpu.memory_space<vmem>>
    %dma_start3A_19 = arith.constant 0 : i32
    %dma_start3A_20 = arith.constant 0 : i32
    %dma_start3A_21 = tpu.memref_slice %arg2[%dma_start3A_19, %dma_start3A_20] : memref<8192x64xf32, #tpu.memory_space<hbm>> -> memref<8192x64xf32, #tpu.memory_space<hbm>>
    tpu.enqueue_indirect_dma source(%dma_start3A_21 : memref<8192x64xf32, #tpu.memory_space<hbm>>) target(%dma_start3A_15 : memref<96x64xf32, #tpu.memory_space<vmem>>) offsets(%dma_start3A_18 : memref<96xi32, #tpu.memory_space<vmem>>) semaphore(%arg11 : memref<!tpu.dma_semaphore, #tpu.memory_space<semaphore_mem>>)
    %dma_start3A_22 = arith.constant 2 : i32
    %dma_start3A_23 = arith.constant 192 : i32
    %dma_start3A_24 = arith.constant 0 : i32
    %dma_start3A_25 = tpu.memref_slice %arg8[%dma_start3A_23, %dma_start3A_24] : memref<576x64xf32, #tpu.memory_space<vmem>> -> memref<96x64xf32, #tpu.memory_space<vmem>>
    %dma_start3A_26 = arith.constant 0 : i32
    %dma_start3A_27 = tpu.memref_slice %arg7[%dma_start3A_22, %dma_start3A_26] : memref<6x96xi32, #tpu.memory_space<vmem>> -> memref<1x96xi32, #tpu.memory_space<vmem>>
    %dma_start3A_28 = tpu.memref_squeeze %dma_start3A_27 : memref<1x96xi32, #tpu.memory_space<vmem>> -> memref<96xi32, #tpu.memory_space<vmem>>
    %dma_start3A_29 = arith.constant 0 : i32
    %dma_start3A_30 = arith.constant 0 : i32
    %dma_start3A_31 = tpu.memref_slice %arg2[%dma_start3A_29, %dma_start3A_30] : memref<8192x64xf32, #tpu.memory_space<hbm>> -> memref<8192x64xf32, #tpu.memory_space<hbm>>
    tpu.enqueue_indirect_dma source(%dma_start3A_31 : memref<8192x64xf32, #tpu.memory_space<hbm>>) target(%dma_start3A_25 : memref<96x64xf32, #tpu.memory_space<vmem>>) offsets(%dma_start3A_28 : memref<96xi32, #tpu.memory_space<vmem>>) semaphore(%arg11 : memref<!tpu.dma_semaphore, #tpu.memory_space<semaphore_mem>>)
    %dma_start3A_32 = arith.constant 3 : i32
    %dma_start3A_33 = arith.constant 288 : i32
    %dma_start3A_34 = arith.constant 0 : i32
    %dma_start3A_35 = tpu.memref_slice %arg8[%dma_start3A_33, %dma_start3A_34] : memref<576x64xf32, #tpu.memory_space<vmem>> -> memref<96x64xf32, #tpu.memory_space<vmem>>
    %dma_start3A_36 = arith.constant 0 : i32
    %dma_start3A_37 = tpu.memref_slice %arg7[%dma_start3A_32, %dma_start3A_36] : memref<6x96xi32, #tpu.memory_space<vmem>> -> memref<1x96xi32, #tpu.memory_space<vmem>>
    %dma_start3A_38 = tpu.memref_squeeze %dma_start3A_37 : memref<1x96xi32, #tpu.memory_space<vmem>> -> memref<96xi32, #tpu.memory_space<vmem>>
    %dma_start3A_39 = arith.constant 0 : i32
    %dma_start3A_40 = arith.constant 0 : i32
    %dma_start3A_41 = tpu.memref_slice %arg2[%dma_start3A_39, %dma_start3A_40] : memref<8192x64xf32, #tpu.memory_space<hbm>> -> memref<8192x64xf32, #tpu.memory_space<hbm>>
    tpu.enqueue_indirect_dma source(%dma_start3A_41 : memref<8192x64xf32, #tpu.memory_space<hbm>>) target(%dma_start3A_35 : memref<96x64xf32, #tpu.memory_space<vmem>>) offsets(%dma_start3A_38 : memref<96xi32, #tpu.memory_space<vmem>>) semaphore(%arg11 : memref<!tpu.dma_semaphore, #tpu.memory_space<semaphore_mem>>)
    %dma_start3A_42 = arith.constant 4 : i32
    %dma_start3A_43 = arith.constant 384 : i32
    %dma_start3A_44 = arith.constant 0 : i32
    %dma_start3A_45 = tpu.memref_slice %arg8[%dma_start3A_43, %dma_start3A_44] : memref<576x64xf32, #tpu.memory_space<vmem>> -> memref<96x64xf32, #tpu.memory_space<vmem>>
    %dma_start3A_46 = arith.constant 0 : i32
    %dma_start3A_47 = tpu.memref_slice %arg7[%dma_start3A_42, %dma_start3A_46] : memref<6x96xi32, #tpu.memory_space<vmem>> -> memref<1x96xi32, #tpu.memory_space<vmem>>
    %dma_start3A_48 = tpu.memref_squeeze %dma_start3A_47 : memref<1x96xi32, #tpu.memory_space<vmem>> -> memref<96xi32, #tpu.memory_space<vmem>>
    %dma_start3A_49 = arith.constant 0 : i32
    %dma_start3A_50 = arith.constant 0 : i32
    %dma_start3A_51 = tpu.memref_slice %arg2[%dma_start3A_49, %dma_start3A_50] : memref<8192x64xf32, #tpu.memory_space<hbm>> -> memref<8192x64xf32, #tpu.memory_space<hbm>>
    tpu.enqueue_indirect_dma source(%dma_start3A_51 : memref<8192x64xf32, #tpu.memory_space<hbm>>) target(%dma_start3A_45 : memref<96x64xf32, #tpu.memory_space<vmem>>) offsets(%dma_start3A_48 : memref<96xi32, #tpu.memory_space<vmem>>) semaphore(%arg11 : memref<!tpu.dma_semaphore, #tpu.memory_space<semaphore_mem>>)
    %dma_start3A_52 = arith.constant 5 : i32
    %dma_start3A_53 = arith.constant 480 : i32
    %dma_start3A_54 = arith.constant 0 : i32
    %dma_start3A_55 = tpu.memref_slice %arg8[%dma_start3A_53, %dma_start3A_54] : memref<576x64xf32, #tpu.memory_space<vmem>> -> memref<96x64xf32, #tpu.memory_space<vmem>>
    %dma_start3A_56 = arith.constant 0 : i32
    %dma_start3A_57 = tpu.memref_slice %arg7[%dma_start3A_52, %dma_start3A_56] : memref<6x96xi32, #tpu.memory_space<vmem>> -> memref<1x96xi32, #tpu.memory_space<vmem>>
    %dma_start3A_58 = tpu.memref_squeeze %dma_start3A_57 : memref<1x96xi32, #tpu.memory_space<vmem>> -> memref<96xi32, #tpu.memory_space<vmem>>
    %dma_start3A_59 = arith.constant 0 : i32
    %dma_start3A_60 = arith.constant 0 : i32
    %dma_start3A_61 = tpu.memref_slice %arg2[%dma_start3A_59, %dma_start3A_60] : memref<8192x64xf32, #tpu.memory_space<hbm>> -> memref<8192x64xf32, #tpu.memory_space<hbm>>
    tpu.enqueue_indirect_dma source(%dma_start3A_61 : memref<8192x64xf32, #tpu.memory_space<hbm>>) target(%dma_start3A_55 : memref<96x64xf32, #tpu.memory_space<vmem>>) offsets(%dma_start3A_58 : memref<96xi32, #tpu.memory_space<vmem>>) semaphore(%arg11 : memref<!tpu.dma_semaphore, #tpu.memory_space<semaphore_mem>>)
    "tpu.region"() ({
      %run_scoped3A = tpu.sem_alloc : memref<!tpu.dma_semaphore, #tpu.memory_space<semaphore_mem>>
      %dma_start3A_130 = arith.constant 0 : i32
      %dma_start3A_131 = tpu.memref_slice %arg4[%mul3A_2, %dma_start3A_130] : memref<18432x64xf32, #tpu.memory_space<hbm>> -> memref<576x64xf32, #tpu.memory_space<hbm>>
      %dma_start3A_132 = arith.constant 0 : i32
      %dma_start3A_133 = tpu.memref_slice %arg4[%mul3A_2, %dma_start3A_132] : memref<18432x64xf32, #tpu.memory_space<hbm>> -> memref<576x64xf32, #tpu.memory_space<hbm>>
      tpu.enqueue_dma source(%dma_start3A_133 : memref<576x64xf32, #tpu.memory_space<hbm>>) target(%arg9 : memref<576x64xf32, #tpu.memory_space<vmem>>) target_semaphore(%run_scoped3A : memref<!tpu.dma_semaphore, #tpu.memory_space<semaphore_mem>>)
      %dma_wait3A_134 = arith.constant 0 : i32
      %dma_wait3A_135 = tpu.memref_slice %arg4[%mul3A_2, %dma_wait3A_134] : memref<18432x64xf32, #tpu.memory_space<hbm>> -> memref<576x64xf32, #tpu.memory_space<hbm>>
      %dma_wait3A_136 = arith.constant 0 : i32
      %dma_wait3A_137 = tpu.memref_slice %arg4[%mul3A_2, %dma_wait3A_136] : memref<18432x64xf32, #tpu.memory_space<hbm>> -> memref<576x64xf32, #tpu.memory_space<hbm>>
      tpu.wait_dma2 semaphore(%run_scoped3A : memref<!tpu.dma_semaphore, #tpu.memory_space<semaphore_mem>>) src(%dma_wait3A_137 : memref<576x64xf32, #tpu.memory_space<hbm>>) dst(%arg9 : memref<576x64xf32, #tpu.memory_space<vmem>>)
      tpu.yield
    }) : () -> ()
    %dma_wait3A = arith.constant 0 : i32
    %dma_wait3A_62 = arith.constant 0 : i32
    %dma_wait3A_63 = arith.constant 0 : i32
    %dma_wait3A_64 = tpu.memref_slice %arg8[%dma_wait3A_62, %dma_wait3A_63] : memref<576x64xf32, #tpu.memory_space<vmem>> -> memref<96x64xf32, #tpu.memory_space<vmem>>
    %dma_wait3A_65 = arith.constant 0 : i32
    %dma_wait3A_66 = tpu.memref_slice %arg7[%dma_wait3A, %dma_wait3A_65] : memref<6x96xi32, #tpu.memory_space<vmem>> -> memref<1x96xi32, #tpu.memory_space<vmem>>
    %dma_wait3A_67 = tpu.memref_squeeze %dma_wait3A_66 : memref<1x96xi32, #tpu.memory_space<vmem>> -> memref<96xi32, #tpu.memory_space<vmem>>
    %dma_wait3A_68 = arith.constant 0 : i32
    %dma_wait3A_69 = arith.constant 0 : i32
    %dma_wait3A_70 = tpu.memref_slice %arg2[%dma_wait3A_68, %dma_wait3A_69] : memref<8192x64xf32, #tpu.memory_space<hbm>> -> memref<8192x64xf32, #tpu.memory_space<hbm>>
    tpu.wait_indirect_dma semaphore(%arg11 : memref<!tpu.dma_semaphore, #tpu.memory_space<semaphore_mem>>) src(%dma_wait3A_70 : memref<8192x64xf32, #tpu.memory_space<hbm>>) dst(%dma_wait3A_64 : memref<96x64xf32, #tpu.memory_space<vmem>>)
    %dma_wait3A_71 = arith.constant 1 : i32
    %dma_wait3A_72 = arith.constant 96 : i32
    %dma_wait3A_73 = arith.constant 0 : i32
    %dma_wait3A_74 = tpu.memref_slice %arg8[%dma_wait3A_72, %dma_wait3A_73] : memref<576x64xf32, #tpu.memory_space<vmem>> -> memref<96x64xf32, #tpu.memory_space<vmem>>
    %dma_wait3A_75 = arith.constant 0 : i32
    %dma_wait3A_76 = tpu.memref_slice %arg7[%dma_wait3A_71, %dma_wait3A_75] : memref<6x96xi32, #tpu.memory_space<vmem>> -> memref<1x96xi32, #tpu.memory_space<vmem>>
    %dma_wait3A_77 = tpu.memref_squeeze %dma_wait3A_76 : memref<1x96xi32, #tpu.memory_space<vmem>> -> memref<96xi32, #tpu.memory_space<vmem>>
    %dma_wait3A_78 = arith.constant 0 : i32
    %dma_wait3A_79 = arith.constant 0 : i32
    %dma_wait3A_80 = tpu.memref_slice %arg2[%dma_wait3A_78, %dma_wait3A_79] : memref<8192x64xf32, #tpu.memory_space<hbm>> -> memref<8192x64xf32, #tpu.memory_space<hbm>>
    tpu.wait_indirect_dma semaphore(%arg11 : memref<!tpu.dma_semaphore, #tpu.memory_space<semaphore_mem>>) src(%dma_wait3A_80 : memref<8192x64xf32, #tpu.memory_space<hbm>>) dst(%dma_wait3A_74 : memref<96x64xf32, #tpu.memory_space<vmem>>)
    %dma_wait3A_81 = arith.constant 2 : i32
    %dma_wait3A_82 = arith.constant 192 : i32
    %dma_wait3A_83 = arith.constant 0 : i32
    %dma_wait3A_84 = tpu.memref_slice %arg8[%dma_wait3A_82, %dma_wait3A_83] : memref<576x64xf32, #tpu.memory_space<vmem>> -> memref<96x64xf32, #tpu.memory_space<vmem>>
    %dma_wait3A_85 = arith.constant 0 : i32
    %dma_wait3A_86 = tpu.memref_slice %arg7[%dma_wait3A_81, %dma_wait3A_85] : memref<6x96xi32, #tpu.memory_space<vmem>> -> memref<1x96xi32, #tpu.memory_space<vmem>>
    %dma_wait3A_87 = tpu.memref_squeeze %dma_wait3A_86 : memref<1x96xi32, #tpu.memory_space<vmem>> -> memref<96xi32, #tpu.memory_space<vmem>>
    %dma_wait3A_88 = arith.constant 0 : i32
    %dma_wait3A_89 = arith.constant 0 : i32
    %dma_wait3A_90 = tpu.memref_slice %arg2[%dma_wait3A_88, %dma_wait3A_89] : memref<8192x64xf32, #tpu.memory_space<hbm>> -> memref<8192x64xf32, #tpu.memory_space<hbm>>
    tpu.wait_indirect_dma semaphore(%arg11 : memref<!tpu.dma_semaphore, #tpu.memory_space<semaphore_mem>>) src(%dma_wait3A_90 : memref<8192x64xf32, #tpu.memory_space<hbm>>) dst(%dma_wait3A_84 : memref<96x64xf32, #tpu.memory_space<vmem>>)
    %dma_wait3A_91 = arith.constant 3 : i32
    %dma_wait3A_92 = arith.constant 288 : i32
    %dma_wait3A_93 = arith.constant 0 : i32
    %dma_wait3A_94 = tpu.memref_slice %arg8[%dma_wait3A_92, %dma_wait3A_93] : memref<576x64xf32, #tpu.memory_space<vmem>> -> memref<96x64xf32, #tpu.memory_space<vmem>>
    %dma_wait3A_95 = arith.constant 0 : i32
    %dma_wait3A_96 = tpu.memref_slice %arg7[%dma_wait3A_91, %dma_wait3A_95] : memref<6x96xi32, #tpu.memory_space<vmem>> -> memref<1x96xi32, #tpu.memory_space<vmem>>
    %dma_wait3A_97 = tpu.memref_squeeze %dma_wait3A_96 : memref<1x96xi32, #tpu.memory_space<vmem>> -> memref<96xi32, #tpu.memory_space<vmem>>
    %dma_wait3A_98 = arith.constant 0 : i32
    %dma_wait3A_99 = arith.constant 0 : i32
    %dma_wait3A_100 = tpu.memref_slice %arg2[%dma_wait3A_98, %dma_wait3A_99] : memref<8192x64xf32, #tpu.memory_space<hbm>> -> memref<8192x64xf32, #tpu.memory_space<hbm>>
    tpu.wait_indirect_dma semaphore(%arg11 : memref<!tpu.dma_semaphore, #tpu.memory_space<semaphore_mem>>) src(%dma_wait3A_100 : memref<8192x64xf32, #tpu.memory_space<hbm>>) dst(%dma_wait3A_94 : memref<96x64xf32, #tpu.memory_space<vmem>>)
    %dma_wait3A_101 = arith.constant 4 : i32
    %dma_wait3A_102 = arith.constant 384 : i32
    %dma_wait3A_103 = arith.constant 0 : i32
    %dma_wait3A_104 = tpu.memref_slice %arg8[%dma_wait3A_102, %dma_wait3A_103] : memref<576x64xf32, #tpu.memory_space<vmem>> -> memref<96x64xf32, #tpu.memory_space<vmem>>
    %dma_wait3A_105 = arith.constant 0 : i32
    %dma_wait3A_106 = tpu.memref_slice %arg7[%dma_wait3A_101, %dma_wait3A_105] : memref<6x96xi32, #tpu.memory_space<vmem>> -> memref<1x96xi32, #tpu.memory_space<vmem>>
    %dma_wait3A_107 = tpu.memref_squeeze %dma_wait3A_106 : memref<1x96xi32, #tpu.memory_space<vmem>> -> memref<96xi32, #tpu.memory_space<vmem>>
    %dma_wait3A_108 = arith.constant 0 : i32
    %dma_wait3A_109 = arith.constant 0 : i32
    %dma_wait3A_110 = tpu.memref_slice %arg2[%dma_wait3A_108, %dma_wait3A_109] : memref<8192x64xf32, #tpu.memory_space<hbm>> -> memref<8192x64xf32, #tpu.memory_space<hbm>>
    tpu.wait_indirect_dma semaphore(%arg11 : memref<!tpu.dma_semaphore, #tpu.memory_space<semaphore_mem>>) src(%dma_wait3A_110 : memref<8192x64xf32, #tpu.memory_space<hbm>>) dst(%dma_wait3A_104 : memref<96x64xf32, #tpu.memory_space<vmem>>)
    %dma_wait3A_111 = arith.constant 5 : i32
    %dma_wait3A_112 = arith.constant 480 : i32
    %dma_wait3A_113 = arith.constant 0 : i32
    %dma_wait3A_114 = tpu.memref_slice %arg8[%dma_wait3A_112, %dma_wait3A_113] : memref<576x64xf32, #tpu.memory_space<vmem>> -> memref<96x64xf32, #tpu.memory_space<vmem>>
    %dma_wait3A_115 = arith.constant 0 : i32
    %dma_wait3A_116 = tpu.memref_slice %arg7[%dma_wait3A_111, %dma_wait3A_115] : memref<6x96xi32, #tpu.memory_space<vmem>> -> memref<1x96xi32, #tpu.memory_space<vmem>>
    %dma_wait3A_117 = tpu.memref_squeeze %dma_wait3A_116 : memref<1x96xi32, #tpu.memory_space<vmem>> -> memref<96xi32, #tpu.memory_space<vmem>>
    %dma_wait3A_118 = arith.constant 0 : i32
    %dma_wait3A_119 = arith.constant 0 : i32
    %dma_wait3A_120 = tpu.memref_slice %arg2[%dma_wait3A_118, %dma_wait3A_119] : memref<8192x64xf32, #tpu.memory_space<hbm>> -> memref<8192x64xf32, #tpu.memory_space<hbm>>
    tpu.wait_indirect_dma semaphore(%arg11 : memref<!tpu.dma_semaphore, #tpu.memory_space<semaphore_mem>>) src(%dma_wait3A_120 : memref<8192x64xf32, #tpu.memory_space<hbm>>) dst(%dma_wait3A_114 : memref<96x64xf32, #tpu.memory_space<vmem>>)
    %broadcast_in_dim3A = arith.constant 0.000000e+00 : f32
    %broadcast_in_dim3A_121 = vector.broadcast %broadcast_in_dim3A : f32 to vector<16xf32>
    %scan3A = arith.constant 0 : i32
    %scan3A_122 = arith.constant 576 : i32
    %scan3A_123 = arith.addi %scan3A, %scan3A_122 : i32
    %scan3A_124 = arith.constant 1 : i32
    %scan3A_125 = scf.for %scan3A_130 = %scan3A to %scan3A_123 step %scan3A_124 iter_args(%scan3A_131 = %broadcast_in_dim3A_121) -> (vector<16xf32>)  : i32 {
      %get3A = arith.index_cast %scan3A_130 : i32 to index
      %get3A_132 = arith.constant 0 : index
      %get3A_133 = tpu.vector_load %arg8[%get3A, %get3A_132] {strides = array<i32>} : memref<576x64xf32, #tpu.memory_space<vmem>>, vector<1x16xf32>,
      %get3A_134 = vector.shape_cast %get3A_133 : vector<1x16xf32> to vector<16xf32>
      %get3A_135 = arith.index_cast %scan3A_130 : i32 to index
      %get3A_136 = arith.constant 0 : index
      %get3A_137 = tpu.vector_load %arg9[%get3A_135, %get3A_136] {strides = array<i32>} : memref<576x64xf32, #tpu.memory_space<vmem>>, vector<1x16xf32>,
      %get3A_138 = vector.shape_cast %get3A_137 : vector<1x16xf32> to vector<16xf32>
      %sub3A = arith.subf %get3A_134, %get3A_138 : vector<16xf32>
      %add3A_139 = arith.addf %get3A_138, %sub3A : vector<16xf32>
      %swap3A_140 = arith.index_cast %scan3A_130 : i32 to index
      %swap3A_141 = arith.constant 0 : index
      %swap3A_142 = tpu.vector_load %arg8[%swap3A_140, %swap3A_141] {strides = array<i32>} : memref<576x64xf32, #tpu.memory_space<vmem>>, vector<1x16xf32>,
      %swap3A_143 = vector.shape_cast %swap3A_142 : vector<1x16xf32> to vector<16xf32>
      %swap3A_144 = vector.shape_cast %add3A_139 : vector<16xf32> to vector<1x16xf32>
      tpu.vector_store %arg8[%swap3A_140, %swap3A_141], %swap3A_144 {strides = array<i32>} : memref<576x64xf32, #tpu.memory_space<vmem>>, vector<1x16xf32>,
      %mul3A_145 = arith.mulf %sub3A, %sub3A : vector<16xf32>
      %add3A_146 = arith.addf %scan3A_131, %mul3A_145 : vector<16xf32>
      %get3A_147 = arith.index_cast %scan3A_130 : i32 to index
      %get3A_148 = arith.constant 16 : index
      %get3A_149 = tpu.vector_load %arg8[%get3A_147, %get3A_148] {strides = array<i32>} : memref<576x64xf32, #tpu.memory_space<vmem>>, vector<1x16xf32>,
      %get3A_150 = vector.shape_cast %get3A_149 : vector<1x16xf32> to vector<16xf32>
      %get3A_151 = arith.index_cast %scan3A_130 : i32 to index
      %get3A_152 = arith.constant 16 : index
      %get3A_153 = tpu.vector_load %arg9[%get3A_151, %get3A_152] {strides = array<i32>} : memref<576x64xf32, #tpu.memory_space<vmem>>, vector<1x16xf32>,
      %get3A_154 = vector.shape_cast %get3A_153 : vector<1x16xf32> to vector<16xf32>
      %sub3A_155 = arith.subf %get3A_150, %get3A_154 : vector<16xf32>
      %add3A_156 = arith.addf %get3A_154, %sub3A_155 : vector<16xf32>
      %swap3A_157 = arith.index_cast %scan3A_130 : i32 to index
      %swap3A_158 = arith.constant 16 : index
      %swap3A_159 = tpu.vector_load %arg8[%swap3A_157, %swap3A_158] {strides = array<i32>} : memref<576x64xf32, #tpu.memory_space<vmem>>, vector<1x16xf32>,
      %swap3A_160 = vector.shape_cast %swap3A_159 : vector<1x16xf32> to vector<16xf32>
      %swap3A_161 = vector.shape_cast %add3A_156 : vector<16xf32> to vector<1x16xf32>
      tpu.vector_store %arg8[%swap3A_157, %swap3A_158], %swap3A_161 {strides = array<i32>} : memref<576x64xf32, #tpu.memory_space<vmem>>, vector<1x16xf32>,
      %mul3A_162 = arith.mulf %sub3A_155, %sub3A_155 : vector<16xf32>
      %add3A_163 = arith.addf %add3A_146, %mul3A_162 : vector<16xf32>
      %get3A_164 = arith.index_cast %scan3A_130 : i32 to index
      %get3A_165 = arith.constant 32 : index
      %get3A_166 = tpu.vector_load %arg8[%get3A_164, %get3A_165] {strides = array<i32>} : memref<576x64xf32, #tpu.memory_space<vmem>>, vector<1x16xf32>,
      %get3A_167 = vector.shape_cast %get3A_166 : vector<1x16xf32> to vector<16xf32>
      %get3A_168 = arith.index_cast %scan3A_130 : i32 to index
      %get3A_169 = arith.constant 32 : index
      %get3A_170 = tpu.vector_load %arg9[%get3A_168, %get3A_169] {strides = array<i32>} : memref<576x64xf32, #tpu.memory_space<vmem>>, vector<1x16xf32>,
      %get3A_171 = vector.shape_cast %get3A_170 : vector<1x16xf32> to vector<16xf32>
      %sub3A_172 = arith.subf %get3A_167, %get3A_171 : vector<16xf32>
      %add3A_173 = arith.addf %get3A_171, %sub3A_172 : vector<16xf32>
      %swap3A_174 = arith.index_cast %scan3A_130 : i32 to index
      %swap3A_175 = arith.constant 32 : index
      %swap3A_176 = tpu.vector_load %arg8[%swap3A_174, %swap3A_175] {strides = array<i32>} : memref<576x64xf32, #tpu.memory_space<vmem>>, vector<1x16xf32>,
      %swap3A_177 = vector.shape_cast %swap3A_176 : vector<1x16xf32> to vector<16xf32>
      %swap3A_178 = vector.shape_cast %add3A_173 : vector<16xf32> to vector<1x16xf32>
      tpu.vector_store %arg8[%swap3A_174, %swap3A_175], %swap3A_178 {strides = array<i32>} : memref<576x64xf32, #tpu.memory_space<vmem>>, vector<1x16xf32>,
      %mul3A_179 = arith.mulf %sub3A_172, %sub3A_172 : vector<16xf32>
      %add3A_180 = arith.addf %add3A_163, %mul3A_179 : vector<16xf32>
      %get3A_181 = arith.index_cast %scan3A_130 : i32 to index
      %get3A_182 = arith.constant 48 : index
      %get3A_183 = tpu.vector_load %arg8[%get3A_181, %get3A_182] {strides = array<i32>} : memref<576x64xf32, #tpu.memory_space<vmem>>, vector<1x16xf32>,
      %get3A_184 = vector.shape_cast %get3A_183 : vector<1x16xf32> to vector<16xf32>
      %get3A_185 = arith.index_cast %scan3A_130 : i32 to index
      %get3A_186 = arith.constant 48 : index
      %get3A_187 = tpu.vector_load %arg9[%get3A_185, %get3A_186] {strides = array<i32>} : memref<576x64xf32, #tpu.memory_space<vmem>>, vector<1x16xf32>,
      %get3A_188 = vector.shape_cast %get3A_187 : vector<1x16xf32> to vector<16xf32>
      %sub3A_189 = arith.subf %get3A_184, %get3A_188 : vector<16xf32>
      %add3A_190 = arith.addf %get3A_188, %sub3A_189 : vector<16xf32>
      %swap3A_191 = arith.index_cast %scan3A_130 : i32 to index
      %swap3A_192 = arith.constant 48 : index
      %swap3A_193 = tpu.vector_load %arg8[%swap3A_191, %swap3A_192] {strides = array<i32>} : memref<576x64xf32, #tpu.memory_space<vmem>>, vector<1x16xf32>,
      %swap3A_194 = vector.shape_cast %swap3A_193 : vector<1x16xf32> to vector<16xf32>
      %swap3A_195 = vector.shape_cast %add3A_190 : vector<16xf32> to vector<1x16xf32>
      tpu.vector_store %arg8[%swap3A_191, %swap3A_192], %swap3A_195 {strides = array<i32>} : memref<576x64xf32, #tpu.memory_space<vmem>>, vector<1x16xf32>,
      %mul3A_196 = arith.mulf %sub3A_189, %sub3A_189 : vector<16xf32>
      %add3A_197 = arith.addf %add3A_180, %mul3A_196 : vector<16xf32>
      scf.yield %add3A_197 : vector<16xf32>
    }
    %scan3A_126 = arith.constant 576 : i32
    %swap3A = arith.constant 0 : index
    %swap3A_127 = tpu.vector_load %arg10[%swap3A] {strides = array<i32>} : memref<16xf32, #tpu.memory_space<vmem>>, vector<16xf32>,
    %swap3A_128 = vector.shape_cast %swap3A_127 : vector<16xf32> to vector<16xf32>
    %swap3A_129 = vector.shape_cast %scan3A_125 : vector<16xf32> to vector<16xf32>
    tpu.vector_store %arg10[%swap3A], %swap3A_129 {strides = array<i32>} : memref<16xf32, #tpu.memory_space<vmem>>, vector<16xf32>,
    "tpu.region"() ({
      %run_scoped3A = tpu.sem_alloc : memref<!tpu.dma_semaphore, #tpu.memory_space<semaphore_mem>>
      %dma_start3A_130 = arith.constant 0 : i32
      %dma_start3A_131 = tpu.memref_slice %arg5[%mul3A_2, %dma_start3A_130] : memref<18432x64xf32, #tpu.memory_space<hbm>> -> memref<576x64xf32, #tpu.memory_space<hbm>>
      %dma_start3A_132 = arith.constant 0 : i32
      %dma_start3A_133 = tpu.memref_slice %arg5[%mul3A_2, %dma_start3A_132] : memref<18432x64xf32, #tpu.memory_space<hbm>> -> memref<576x64xf32, #tpu.memory_space<hbm>>
      tpu.enqueue_dma source(%arg8 : memref<576x64xf32, #tpu.memory_space<vmem>>) target(%dma_start3A_133 : memref<576x64xf32, #tpu.memory_space<hbm>>) target_semaphore(%run_scoped3A : memref<!tpu.dma_semaphore, #tpu.memory_space<semaphore_mem>>)
      %dma_wait3A_134 = arith.constant 0 : i32
      %dma_wait3A_135 = tpu.memref_slice %arg5[%mul3A_2, %dma_wait3A_134] : memref<18432x64xf32, #tpu.memory_space<hbm>> -> memref<576x64xf32, #tpu.memory_space<hbm>>
      %dma_wait3A_136 = arith.constant 0 : i32
      %dma_wait3A_137 = tpu.memref_slice %arg5[%mul3A_2, %dma_wait3A_136] : memref<18432x64xf32, #tpu.memory_space<hbm>> -> memref<576x64xf32, #tpu.memory_space<hbm>>
      tpu.wait_dma2 semaphore(%run_scoped3A : memref<!tpu.dma_semaphore, #tpu.memory_space<semaphore_mem>>) src(%arg8 : memref<576x64xf32, #tpu.memory_space<vmem>>) dst(%dma_wait3A_137 : memref<576x64xf32, #tpu.memory_space<hbm>>)
      tpu.yield
    }) : () -> ()
    "tpu.region"() ({
      %run_scoped3A = tpu.sem_alloc : memref<!tpu.dma_semaphore, #tpu.memory_space<semaphore_mem>>
      %dma_start3A_130 = arith.constant 0 : i32
      %dma_start3A_131 = tpu.memref_slice %arg6[%add3A, %dma_start3A_130] : memref<32x16xf32, #tpu.memory_space<hbm>> -> memref<1x16xf32, #tpu.memory_space<hbm>>
      %dma_start3A_132 = tpu.memref_squeeze %dma_start3A_131 : memref<1x16xf32, #tpu.memory_space<hbm>> -> memref<16xf32, #tpu.memory_space<hbm>>
      %dma_start3A_133 = arith.constant 0 : i32
      %dma_start3A_134 = tpu.memref_slice %arg6[%add3A, %dma_start3A_133] : memref<32x16xf32, #tpu.memory_space<hbm>> -> memref<1x16xf32, #tpu.memory_space<hbm>>
      %dma_start3A_135 = tpu.memref_squeeze %dma_start3A_134 : memref<1x16xf32, #tpu.memory_space<hbm>> -> memref<16xf32, #tpu.memory_space<hbm>>
      tpu.enqueue_dma source(%arg10 : memref<16xf32, #tpu.memory_space<vmem>>) target(%dma_start3A_135 : memref<16xf32, #tpu.memory_space<hbm>>) target_semaphore(%run_scoped3A : memref<!tpu.dma_semaphore, #tpu.memory_space<semaphore_mem>>)
      %dma_wait3A_136 = arith.constant 0 : i32
      %dma_wait3A_137 = tpu.memref_slice %arg6[%add3A, %dma_wait3A_136] : memref<32x16xf32, #tpu.memory_space<hbm>> -> memref<1x16xf32, #tpu.memory_space<hbm>>
      %dma_wait3A_138 = tpu.memref_squeeze %dma_wait3A_137 : memref<1x16xf32, #tpu.memory_space<hbm>> -> memref<16xf32, #tpu.memory_space<hbm>>
      %dma_wait3A_139 = arith.constant 0 : i32
      %dma_wait3A_140 = tpu.memref_slice %arg6[%add3A, %dma_wait3A_139] : memref<32x16xf32, #tpu.memory_space<hbm>> -> memref<1x16xf32, #tpu.memory_space<hbm>>
      %dma_wait3A_141 = tpu.memref_squeeze %dma_wait3A_140 : memref<1x16xf32, #tpu.memory_space<hbm>> -> memref<16xf32, #tpu.memory_space<hbm>>
      tpu.wait_dma2 semaphore(%run_scoped3A : memref<!tpu.dma_semaphore, #tpu.memory_space<semaphore_mem>>) src(%arg10 : memref<16xf32, #tpu.memory_space<vmem>>) dst(%dma_wait3A_141 : memref<16xf32, #tpu.memory_space<hbm>>)
      tpu.yield
    }) : () -> ()
    return
  }
}

module attributes {stable_mosaic.version = 14 : i64} {
  func.func @_cbnorm_body(%arg0: memref<8192x64xf32, #tpu.memory_space<vmem>>, %arg1: memref<8192x64xf32, #tpu.memory_space<vmem>>, %arg2: memref<8192x1xf32, #tpu.memory_space<vmem>>) attributes {dimension_semantics = [], scalar_prefetch = 0 : i64, scratch_operands = 0 : i64, tpu.core_type = #tpu.core_type<tc>} {
    %get3A = arith.constant 0 : index
    %get3A_0 = arith.constant 0 : index
    %get3A_1 = vector.load %arg0[%get3A, %get3A_0] : memref<8192x64xf32, #tpu.memory_space<vmem>>, vector<8192x64xf32>
    %mul3A = arith.mulf %get3A_1, %get3A_1 : vector<8192x64xf32>
    %reduce_sum3A = arith.constant dense<0.000000e+00> : vector<8192xf32>
    %reduce_sum3A_2 = vector.multi_reduction <add>, %mul3A, %reduce_sum3A [1] : vector<8192x64xf32> to vector<8192xf32>
    %broadcast_in_dim3A = vector.shape_cast %reduce_sum3A_2 : vector<8192xf32> to vector<8192x1xf32>
    %sqrt3A = math.sqrt %broadcast_in_dim3A : vector<8192x1xf32>
    %jit3A = arith.constant 9.99999996E-13 : f32
    %max3A = vector.broadcast %jit3A : f32 to vector<8192x1xf32>
    %max3A_3 = arith.maximumf %max3A, %sqrt3A : vector<8192x1xf32>
    %div3A = vector.broadcast %max3A_3 : vector<8192x1xf32> to vector<8192x64xf32>
    %div3A_4 = arith.divf %get3A_1, %div3A : vector<8192x64xf32>
    %swap3A = arith.constant 0 : index
    %swap3A_5 = arith.constant 0 : index
    %swap3A_6 = vector.load %arg1[%swap3A, %swap3A_5] : memref<8192x64xf32, #tpu.memory_space<vmem>>, vector<8192x64xf32>
    tpu.vector_store %arg1[%swap3A, %swap3A_5], %div3A_4 {strides = array<i32>} : memref<8192x64xf32, #tpu.memory_space<vmem>>, vector<8192x64xf32>,
    %mul3A_7 = arith.mulf %div3A_4, %div3A_4 : vector<8192x64xf32>
    %reduce_sum3A_8 = arith.constant dense<0.000000e+00> : vector<8192xf32>
    %reduce_sum3A_9 = vector.multi_reduction <add>, %mul3A_7, %reduce_sum3A_8 [1] : vector<8192x64xf32> to vector<8192xf32>
    %broadcast_in_dim3A_10 = vector.shape_cast %reduce_sum3A_9 : vector<8192xf32> to vector<8192x1xf32>
    %swap3A_11 = arith.constant 0 : index
    %swap3A_12 = arith.constant 0 : index
    %swap3A_13 = vector.load %arg2[%swap3A_11, %swap3A_12] : memref<8192x1xf32, #tpu.memory_space<vmem>>, vector<8192x1xf32>
    tpu.vector_store %arg2[%swap3A_11, %swap3A_12], %broadcast_in_dim3A_10 {strides = array<i32>} : memref<8192x1xf32, #tpu.memory_space<vmem>>, vector<8192x1xf32>,
    return
  }
}

module attributes {stable_mosaic.version = 14 : i64} {
  func.func @_argmin_body(%arg0: i32, %arg1: memref<256x64xf32, #tpu.memory_space<vmem>>, %arg2: memref<8192x64xf32, #tpu.memory_space<vmem>>, %arg3: memref<8192x1xf32, #tpu.memory_space<vmem>>, %arg4: memref<1x1x256xi32, #tpu.memory_space<vmem>>) attributes {dimension_semantics = [#tpu.dimension_semantics<arbitrary>], iteration_bounds = array<i64: 72>, scalar_prefetch = 0 : i64, scratch_operands = 0 : i64, tpu.core_type = #tpu.core_type<tc>, window_params = [{transform_indices = @transform_0, window_bounds = array<i64: 256, 64>}, {pipeline_mode = #tpu.pipeline_mode<synchronous>, transform_indices = @transform_1, window_bounds = array<i64: 8192, 64>}, {pipeline_mode = #tpu.pipeline_mode<synchronous>, transform_indices = @transform_2, window_bounds = array<i64: 8192, 1>}, {transform_indices = @transform_3, window_bounds = array<i64: 1, 1, 256>}]} {
    %get3A = arith.constant 0 : index
    %get3A_0 = arith.constant 0 : index
    %get3A_1 = vector.load %arg1[%get3A, %get3A_0] : memref<256x64xf32, #tpu.memory_space<vmem>>, vector<256x64xf32>
    %mul3A = arith.mulf %get3A_1, %get3A_1 : vector<256x64xf32>
    %reduce_sum3A = arith.constant dense<0.000000e+00> : vector<256xf32>
    %reduce_sum3A_2 = vector.multi_reduction <add>, %mul3A, %reduce_sum3A [1] : vector<256x64xf32> to vector<256xf32>
    %broadcast_in_dim3A = vector.shape_cast %reduce_sum3A_2 : vector<256xf32> to vector<256x1xf32>
    %sqrt3A = math.sqrt %broadcast_in_dim3A : vector<256x1xf32>
    %jit3A = arith.constant 9.99999996E-13 : f32
    %max3A = vector.broadcast %jit3A : f32 to vector<256x1xf32>
    %max3A_3 = arith.maximumf %max3A, %sqrt3A : vector<256x1xf32>
    %div3A = vector.broadcast %max3A_3 : vector<256x1xf32> to vector<256x64xf32>
    %div3A_4 = arith.divf %get3A_1, %div3A : vector<256x64xf32>
    %mul3A_5 = arith.mulf %div3A_4, %div3A_4 : vector<256x64xf32>
    %reduce_sum3A_6 = arith.constant dense<0.000000e+00> : vector<256xf32>
    %reduce_sum3A_7 = vector.multi_reduction <add>, %mul3A_5, %reduce_sum3A_6 [1] : vector<256x64xf32> to vector<256xf32>
    %broadcast_in_dim3A_8 = vector.shape_cast %reduce_sum3A_7 : vector<256xf32> to vector<256x1xf32>
    %transpose3A = tpu.transpose %broadcast_in_dim3A_8, [1, 0] : vector<256x1xf32> -> vector<1x256xf32>
    %iota3A = tpu.iota {dimensions = array<i32: 0>} : vector<256x256xi32>
    %convert_element_type3A = arith.sitofp %iota3A : vector<256x256xi32> to vector<256x256xf32>
    %get3A_9 = arith.constant 0 : index
    %get3A_10 = arith.constant 0 : index
    %get3A_11 = vector.load %arg2[%get3A_9, %get3A_10] : memref<8192x64xf32, #tpu.memory_space<vmem>>, vector<256x64xf32>
    %get3A_12 = arith.constant 0 : index
    %get3A_13 = arith.constant 0 : index
    %get3A_14 = vector.load %arg3[%get3A_12, %get3A_13] : memref<8192x1xf32, #tpu.memory_space<vmem>>, vector<256x1xf32>
    %dot_general3A = arith.constant dense<0.000000e+00> : vector<256x256xf32>
    %dot_general3A_15 = tpu.matmul %get3A_11, %div3A_4, %dot_general3A {dimension_numbers = #tpu.dot_dimension_numbers<[1], [1], [0], [0], [0, 0, 1, 0], [], []>, transpose_lhs_hint = false} : vector<256x64xf32>, vector<256x64xf32>, vector<256x256xf32> -> vector<256x256xf32>
    %add3A = vector.broadcast %transpose3A : vector<1x256xf32> to vector<256x256xf32>
    %add3A_16 = vector.broadcast %get3A_14 : vector<256x1xf32> to vector<256x256xf32>
    %add3A_17 = arith.addf %add3A, %add3A_16 : vector<256x256xf32>
    %mul3A_18 = arith.constant 2.000000e+00 : f32
    %mul3A_19 = vector.broadcast %mul3A_18 : f32 to vector<256x256xf32>
    %mul3A_20 = arith.mulf %mul3A_19, %dot_general3A_15 : vector<256x256xf32>
    %sub3A = arith.subf %add3A_17, %mul3A_20 : vector<256x256xf32>
    %reduce_min3A = arith.constant dense<0x7F800000> : vector<256xf32>
    %reduce_min3A_21 = vector.multi_reduction <minimumf>, %sub3A, %reduce_min3A [0] : vector<256x256xf32> to vector<256xf32>
    %broadcast_in_dim3A_22 = vector.shape_cast %reduce_min3A_21 : vector<256xf32> to vector<1x256xf32>
    %add3A_23 = arith.constant 0.000000e+00 : f32
    %add3A_24 = vector.broadcast %add3A_23 : f32 to vector<256x256xf32>
    %add3A_25 = arith.addf %convert_element_type3A, %add3A_24 : vector<256x256xf32>
    %le3A = vector.broadcast %broadcast_in_dim3A_22 : vector<1x256xf32> to vector<256x256xf32>
    %le3A_26 = arith.cmpf ole, %sub3A, %le3A : vector<256x256xf32>
    %jit3A_27 = arith.constant 8.192000e+03 : f32
    %broadcast_in_dim3A_28 = vector.broadcast %jit3A_27 : f32 to vector<256x256xf32>
    %select_n3A = arith.select %le3A_26, %add3A_25, %broadcast_in_dim3A_28 : vector<256x256xi1>, vector<256x256xf32>
    %reduce_min3A_29 = arith.constant dense<0x7F800000> : vector<256xf32>
    %reduce_min3A_30 = vector.multi_reduction <minimumf>, %select_n3A, %reduce_min3A_29 [0] : vector<256x256xf32> to vector<256xf32>
    %broadcast_in_dim3A_31 = vector.shape_cast %reduce_min3A_30 : vector<256xf32> to vector<1x256xf32>
    %get3A_32 = arith.constant 256 : index
    %get3A_33 = arith.constant 0 : index
    %get3A_34 = vector.load %arg2[%get3A_32, %get3A_33] : memref<8192x64xf32, #tpu.memory_space<vmem>>, vector<256x64xf32>
    %get3A_35 = arith.constant 256 : index
    %get3A_36 = arith.constant 0 : index
    %get3A_37 = vector.load %arg3[%get3A_35, %get3A_36] : memref<8192x1xf32, #tpu.memory_space<vmem>>, vector<256x1xf32>
    %dot_general3A_38 = arith.constant dense<0.000000e+00> : vector<256x256xf32>
    %dot_general3A_39 = tpu.matmul %get3A_34, %div3A_4, %dot_general3A_38 {dimension_numbers = #tpu.dot_dimension_numbers<[1], [1], [0], [0], [0, 0, 1, 0], [], []>, transpose_lhs_hint = false} : vector<256x64xf32>, vector<256x64xf32>, vector<256x256xf32> -> vector<256x256xf32>
    %add3A_40 = vector.broadcast %transpose3A : vector<1x256xf32> to vector<256x256xf32>
    %add3A_41 = vector.broadcast %get3A_37 : vector<256x1xf32> to vector<256x256xf32>
    %add3A_42 = arith.addf %add3A_40, %add3A_41 : vector<256x256xf32>
    %mul3A_43 = arith.constant 2.000000e+00 : f32
    %mul3A_44 = vector.broadcast %mul3A_43 : f32 to vector<256x256xf32>
    %mul3A_45 = arith.mulf %mul3A_44, %dot_general3A_39 : vector<256x256xf32>
    %sub3A_46 = arith.subf %add3A_42, %mul3A_45 : vector<256x256xf32>
    %reduce_min3A_47 = arith.constant dense<0x7F800000> : vector<256xf32>
    %reduce_min3A_48 = vector.multi_reduction <minimumf>, %sub3A_46, %reduce_min3A_47 [0] : vector<256x256xf32> to vector<256xf32>
    %broadcast_in_dim3A_49 = vector.shape_cast %reduce_min3A_48 : vector<256xf32> to vector<1x256xf32>
    %add3A_50 = arith.constant 2.560000e+02 : f32
    %add3A_51 = vector.broadcast %add3A_50 : f32 to vector<256x256xf32>
    %add3A_52 = arith.addf %convert_element_type3A, %add3A_51 : vector<256x256xf32>
    %le3A_53 = vector.broadcast %broadcast_in_dim3A_49 : vector<1x256xf32> to vector<256x256xf32>
    %le3A_54 = arith.cmpf ole, %sub3A_46, %le3A_53 : vector<256x256xf32>
    %jit3A_55 = arith.constant 8.192000e+03 : f32
    %broadcast_in_dim3A_56 = vector.broadcast %jit3A_55 : f32 to vector<256x256xf32>
    %select_n3A_57 = arith.select %le3A_54, %add3A_52, %broadcast_in_dim3A_56 : vector<256x256xi1>, vector<256x256xf32>
    %reduce_min3A_58 = arith.constant dense<0x7F800000> : vector<256xf32>
    %reduce_min3A_59 = vector.multi_reduction <minimumf>, %select_n3A_57, %reduce_min3A_58 [0] : vector<256x256xf32> to vector<256xf32>
    %broadcast_in_dim3A_60 = vector.shape_cast %reduce_min3A_59 : vector<256xf32> to vector<1x256xf32>
    %lt3A = arith.cmpf olt, %broadcast_in_dim3A_49, %broadcast_in_dim3A_22 : vector<1x256xf32>
    %select_n3A_61 = arith.select %lt3A, %broadcast_in_dim3A_49, %broadcast_in_dim3A_22 : vector<1x256xi1>, vector<1x256xf32>
    %select_n3A_62 = arith.select %lt3A, %broadcast_in_dim3A_60, %broadcast_in_dim3A_31 : vector<1x256xi1>, vector<1x256xf32>
    %get3A_63 = arith.constant 512 : index
    %get3A_64 = arith.constant 0 : index
    %get3A_65 = vector.load %arg2[%get3A_63, %get3A_64] : memref<8192x64xf32, #tpu.memory_space<vmem>>, vector<256x64xf32>
    %get3A_66 = arith.constant 512 : index
    %get3A_67 = arith.constant 0 : index
    %get3A_68 = vector.load %arg3[%get3A_66, %get3A_67] : memref<8192x1xf32, #tpu.memory_space<vmem>>, vector<256x1xf32>
    %dot_general3A_69 = arith.constant dense<0.000000e+00> : vector<256x256xf32>
    %dot_general3A_70 = tpu.matmul %get3A_65, %div3A_4, %dot_general3A_69 {dimension_numbers = #tpu.dot_dimension_numbers<[1], [1], [0], [0], [0, 0, 1, 0], [], []>, transpose_lhs_hint = false} : vector<256x64xf32>, vector<256x64xf32>, vector<256x256xf32> -> vector<256x256xf32>
    %add3A_71 = vector.broadcast %transpose3A : vector<1x256xf32> to vector<256x256xf32>
    %add3A_72 = vector.broadcast %get3A_68 : vector<256x1xf32> to vector<256x256xf32>
    %add3A_73 = arith.addf %add3A_71, %add3A_72 : vector<256x256xf32>
    %mul3A_74 = arith.constant 2.000000e+00 : f32
    %mul3A_75 = vector.broadcast %mul3A_74 : f32 to vector<256x256xf32>
    %mul3A_76 = arith.mulf %mul3A_75, %dot_general3A_70 : vector<256x256xf32>
    %sub3A_77 = arith.subf %add3A_73, %mul3A_76 : vector<256x256xf32>
    %reduce_min3A_78 = arith.constant dense<0x7F800000> : vector<256xf32>
    %reduce_min3A_79 = vector.multi_reduction <minimumf>, %sub3A_77, %reduce_min3A_78 [0] : vector<256x256xf32> to vector<256xf32>
    %broadcast_in_dim3A_80 = vector.shape_cast %reduce_min3A_79 : vector<256xf32> to vector<1x256xf32>
    %add3A_81 = arith.constant 5.120000e+02 : f32
    %add3A_82 = vector.broadcast %add3A_81 : f32 to vector<256x256xf32>
    %add3A_83 = arith.addf %convert_element_type3A, %add3A_82 : vector<256x256xf32>
    %le3A_84 = vector.broadcast %broadcast_in_dim3A_80 : vector<1x256xf32> to vector<256x256xf32>
    %le3A_85 = arith.cmpf ole, %sub3A_77, %le3A_84 : vector<256x256xf32>
    %jit3A_86 = arith.constant 8.192000e+03 : f32
    %broadcast_in_dim3A_87 = vector.broadcast %jit3A_86 : f32 to vector<256x256xf32>
    %select_n3A_88 = arith.select %le3A_85, %add3A_83, %broadcast_in_dim3A_87 : vector<256x256xi1>, vector<256x256xf32>
    %reduce_min3A_89 = arith.constant dense<0x7F800000> : vector<256xf32>
    %reduce_min3A_90 = vector.multi_reduction <minimumf>, %select_n3A_88, %reduce_min3A_89 [0] : vector<256x256xf32> to vector<256xf32>
    %broadcast_in_dim3A_91 = vector.shape_cast %reduce_min3A_90 : vector<256xf32> to vector<1x256xf32>
    %lt3A_92 = arith.cmpf olt, %broadcast_in_dim3A_80, %select_n3A_61 : vector<1x256xf32>
    %select_n3A_93 = arith.select %lt3A_92, %broadcast_in_dim3A_80, %select_n3A_61 : vector<1x256xi1>, vector<1x256xf32>
    %select_n3A_94 = arith.select %lt3A_92, %broadcast_in_dim3A_91, %select_n3A_62 : vector<1x256xi1>, vector<1x256xf32>
    %get3A_95 = arith.constant 768 : index
    %get3A_96 = arith.constant 0 : index
    %get3A_97 = vector.load %arg2[%get3A_95, %get3A_96] : memref<8192x64xf32, #tpu.memory_space<vmem>>, vector<256x64xf32>
    %get3A_98 = arith.constant 768 : index
    %get3A_99 = arith.constant 0 : index
    %get3A_100 = vector.load %arg3[%get3A_98, %get3A_99] : memref<8192x1xf32, #tpu.memory_space<vmem>>, vector<256x1xf32>
    %dot_general3A_101 = arith.constant dense<0.000000e+00> : vector<256x256xf32>
    %dot_general3A_102 = tpu.matmul %get3A_97, %div3A_4, %dot_general3A_101 {dimension_numbers = #tpu.dot_dimension_numbers<[1], [1], [0], [0], [0, 0, 1, 0], [], []>, transpose_lhs_hint = false} : vector<256x64xf32>, vector<256x64xf32>, vector<256x256xf32> -> vector<256x256xf32>
    %add3A_103 = vector.broadcast %transpose3A : vector<1x256xf32> to vector<256x256xf32>
    %add3A_104 = vector.broadcast %get3A_100 : vector<256x1xf32> to vector<256x256xf32>
    %add3A_105 = arith.addf %add3A_103, %add3A_104 : vector<256x256xf32>
    %mul3A_106 = arith.constant 2.000000e+00 : f32
    %mul3A_107 = vector.broadcast %mul3A_106 : f32 to vector<256x256xf32>
    %mul3A_108 = arith.mulf %mul3A_107, %dot_general3A_102 : vector<256x256xf32>
    %sub3A_109 = arith.subf %add3A_105, %mul3A_108 : vector<256x256xf32>
    %reduce_min3A_110 = arith.constant dense<0x7F800000> : vector<256xf32>
    %reduce_min3A_111 = vector.multi_reduction <minimumf>, %sub3A_109, %reduce_min3A_110 [0] : vector<256x256xf32> to vector<256xf32>
    %broadcast_in_dim3A_112 = vector.shape_cast %reduce_min3A_111 : vector<256xf32> to vector<1x256xf32>
    %add3A_113 = arith.constant 7.680000e+02 : f32
    %add3A_114 = vector.broadcast %add3A_113 : f32 to vector<256x256xf32>
    %add3A_115 = arith.addf %convert_element_type3A, %add3A_114 : vector<256x256xf32>
    %le3A_116 = vector.broadcast %broadcast_in_dim3A_112 : vector<1x256xf32> to vector<256x256xf32>
    %le3A_117 = arith.cmpf ole, %sub3A_109, %le3A_116 : vector<256x256xf32>
    %jit3A_118 = arith.constant 8.192000e+03 : f32
    %broadcast_in_dim3A_119 = vector.broadcast %jit3A_118 : f32 to vector<256x256xf32>
    %select_n3A_120 = arith.select %le3A_117, %add3A_115, %broadcast_in_dim3A_119 : vector<256x256xi1>, vector<256x256xf32>
    %reduce_min3A_121 = arith.constant dense<0x7F800000> : vector<256xf32>
    %reduce_min3A_122 = vector.multi_reduction <minimumf>, %select_n3A_120, %reduce_min3A_121 [0] : vector<256x256xf32> to vector<256xf32>
    %broadcast_in_dim3A_123 = vector.shape_cast %reduce_min3A_122 : vector<256xf32> to vector<1x256xf32>
    %lt3A_124 = arith.cmpf olt, %broadcast_in_dim3A_112, %select_n3A_93 : vector<1x256xf32>
    %select_n3A_125 = arith.select %lt3A_124, %broadcast_in_dim3A_112, %select_n3A_93 : vector<1x256xi1>, vector<1x256xf32>
    %select_n3A_126 = arith.select %lt3A_124, %broadcast_in_dim3A_123, %select_n3A_94 : vector<1x256xi1>, vector<1x256xf32>
    %get3A_127 = arith.constant 1024 : index
    %get3A_128 = arith.constant 0 : index
    %get3A_129 = vector.load %arg2[%get3A_127, %get3A_128] : memref<8192x64xf32, #tpu.memory_space<vmem>>, vector<256x64xf32>
    %get3A_130 = arith.constant 1024 : index
    %get3A_131 = arith.constant 0 : index
    %get3A_132 = vector.load %arg3[%get3A_130, %get3A_131] : memref<8192x1xf32, #tpu.memory_space<vmem>>, vector<256x1xf32>
    %dot_general3A_133 = arith.constant dense<0.000000e+00> : vector<256x256xf32>
    %dot_general3A_134 = tpu.matmul %get3A_129, %div3A_4, %dot_general3A_133 {dimension_numbers = #tpu.dot_dimension_numbers<[1], [1], [0], [0], [0, 0, 1, 0], [], []>, transpose_lhs_hint = false} : vector<256x64xf32>, vector<256x64xf32>, vector<256x256xf32> -> vector<256x256xf32>
    %add3A_135 = vector.broadcast %transpose3A : vector<1x256xf32> to vector<256x256xf32>
    %add3A_136 = vector.broadcast %get3A_132 : vector<256x1xf32> to vector<256x256xf32>
    %add3A_137 = arith.addf %add3A_135, %add3A_136 : vector<256x256xf32>
    %mul3A_138 = arith.constant 2.000000e+00 : f32
    %mul3A_139 = vector.broadcast %mul3A_138 : f32 to vector<256x256xf32>
    %mul3A_140 = arith.mulf %mul3A_139, %dot_general3A_134 : vector<256x256xf32>
    %sub3A_141 = arith.subf %add3A_137, %mul3A_140 : vector<256x256xf32>
    %reduce_min3A_142 = arith.constant dense<0x7F800000> : vector<256xf32>
    %reduce_min3A_143 = vector.multi_reduction <minimumf>, %sub3A_141, %reduce_min3A_142 [0] : vector<256x256xf32> to vector<256xf32>
    %broadcast_in_dim3A_144 = vector.shape_cast %reduce_min3A_143 : vector<256xf32> to vector<1x256xf32>
    %add3A_145 = arith.constant 1.024000e+03 : f32
    %add3A_146 = vector.broadcast %add3A_145 : f32 to vector<256x256xf32>
    %add3A_147 = arith.addf %convert_element_type3A, %add3A_146 : vector<256x256xf32>
    %le3A_148 = vector.broadcast %broadcast_in_dim3A_144 : vector<1x256xf32> to vector<256x256xf32>
    %le3A_149 = arith.cmpf ole, %sub3A_141, %le3A_148 : vector<256x256xf32>
    %jit3A_150 = arith.constant 8.192000e+03 : f32
    %broadcast_in_dim3A_151 = vector.broadcast %jit3A_150 : f32 to vector<256x256xf32>
    %select_n3A_152 = arith.select %le3A_149, %add3A_147, %broadcast_in_dim3A_151 : vector<256x256xi1>, vector<256x256xf32>
    %reduce_min3A_153 = arith.constant dense<0x7F800000> : vector<256xf32>
    %reduce_min3A_154 = vector.multi_reduction <minimumf>, %select_n3A_152, %reduce_min3A_153 [0] : vector<256x256xf32> to vector<256xf32>
    %broadcast_in_dim3A_155 = vector.shape_cast %reduce_min3A_154 : vector<256xf32> to vector<1x256xf32>
    %lt3A_156 = arith.cmpf olt, %broadcast_in_dim3A_144, %select_n3A_125 : vector<1x256xf32>
    %select_n3A_157 = arith.select %lt3A_156, %broadcast_in_dim3A_144, %select_n3A_125 : vector<1x256xi1>, vector<1x256xf32>
    %select_n3A_158 = arith.select %lt3A_156, %broadcast_in_dim3A_155, %select_n3A_126 : vector<1x256xi1>, vector<1x256xf32>
    %get3A_159 = arith.constant 1280 : index
    %get3A_160 = arith.constant 0 : index
    %get3A_161 = vector.load %arg2[%get3A_159, %get3A_160] : memref<8192x64xf32, #tpu.memory_space<vmem>>, vector<256x64xf32>
    %get3A_162 = arith.constant 1280 : index
    %get3A_163 = arith.constant 0 : index
    %get3A_164 = vector.load %arg3[%get3A_162, %get3A_163] : memref<8192x1xf32, #tpu.memory_space<vmem>>, vector<256x1xf32>
    %dot_general3A_165 = arith.constant dense<0.000000e+00> : vector<256x256xf32>
    %dot_general3A_166 = tpu.matmul %get3A_161, %div3A_4, %dot_general3A_165 {dimension_numbers = #tpu.dot_dimension_numbers<[1], [1], [0], [0], [0, 0, 1, 0], [], []>, transpose_lhs_hint = false} : vector<256x64xf32>, vector<256x64xf32>, vector<256x256xf32> -> vector<256x256xf32>
    %add3A_167 = vector.broadcast %transpose3A : vector<1x256xf32> to vector<256x256xf32>
    %add3A_168 = vector.broadcast %get3A_164 : vector<256x1xf32> to vector<256x256xf32>
    %add3A_169 = arith.addf %add3A_167, %add3A_168 : vector<256x256xf32>
    %mul3A_170 = arith.constant 2.000000e+00 : f32
    %mul3A_171 = vector.broadcast %mul3A_170 : f32 to vector<256x256xf32>
    %mul3A_172 = arith.mulf %mul3A_171, %dot_general3A_166 : vector<256x256xf32>
    %sub3A_173 = arith.subf %add3A_169, %mul3A_172 : vector<256x256xf32>
    %reduce_min3A_174 = arith.constant dense<0x7F800000> : vector<256xf32>
    %reduce_min3A_175 = vector.multi_reduction <minimumf>, %sub3A_173, %reduce_min3A_174 [0] : vector<256x256xf32> to vector<256xf32>
    %broadcast_in_dim3A_176 = vector.shape_cast %reduce_min3A_175 : vector<256xf32> to vector<1x256xf32>
    %add3A_177 = arith.constant 1.280000e+03 : f32
    %add3A_178 = vector.broadcast %add3A_177 : f32 to vector<256x256xf32>
    %add3A_179 = arith.addf %convert_element_type3A, %add3A_178 : vector<256x256xf32>
    %le3A_180 = vector.broadcast %broadcast_in_dim3A_176 : vector<1x256xf32> to vector<256x256xf32>
    %le3A_181 = arith.cmpf ole, %sub3A_173, %le3A_180 : vector<256x256xf32>
    %jit3A_182 = arith.constant 8.192000e+03 : f32
    %broadcast_in_dim3A_183 = vector.broadcast %jit3A_182 : f32 to vector<256x256xf32>
    %select_n3A_184 = arith.select %le3A_181, %add3A_179, %broadcast_in_dim3A_183 : vector<256x256xi1>, vector<256x256xf32>
    %reduce_min3A_185 = arith.constant dense<0x7F800000> : vector<256xf32>
    %reduce_min3A_186 = vector.multi_reduction <minimumf>, %select_n3A_184, %reduce_min3A_185 [0] : vector<256x256xf32> to vector<256xf32>
    %broadcast_in_dim3A_187 = vector.shape_cast %reduce_min3A_186 : vector<256xf32> to vector<1x256xf32>
    %lt3A_188 = arith.cmpf olt, %broadcast_in_dim3A_176, %select_n3A_157 : vector<1x256xf32>
    %select_n3A_189 = arith.select %lt3A_188, %broadcast_in_dim3A_176, %select_n3A_157 : vector<1x256xi1>, vector<1x256xf32>
    %select_n3A_190 = arith.select %lt3A_188, %broadcast_in_dim3A_187, %select_n3A_158 : vector<1x256xi1>, vector<1x256xf32>
    %get3A_191 = arith.constant 1536 : index
    %get3A_192 = arith.constant 0 : index
    %get3A_193 = vector.load %arg2[%get3A_191, %get3A_192] : memref<8192x64xf32, #tpu.memory_space<vmem>>, vector<256x64xf32>
    %get3A_194 = arith.constant 1536 : index
    %get3A_195 = arith.constant 0 : index
    %get3A_196 = vector.load %arg3[%get3A_194, %get3A_195] : memref<8192x1xf32, #tpu.memory_space<vmem>>, vector<256x1xf32>
    %dot_general3A_197 = arith.constant dense<0.000000e+00> : vector<256x256xf32>
    %dot_general3A_198 = tpu.matmul %get3A_193, %div3A_4, %dot_general3A_197 {dimension_numbers = #tpu.dot_dimension_numbers<[1], [1], [0], [0], [0, 0, 1, 0], [], []>, transpose_lhs_hint = false} : vector<256x64xf32>, vector<256x64xf32>, vector<256x256xf32> -> vector<256x256xf32>
    %add3A_199 = vector.broadcast %transpose3A : vector<1x256xf32> to vector<256x256xf32>
    %add3A_200 = vector.broadcast %get3A_196 : vector<256x1xf32> to vector<256x256xf32>
    %add3A_201 = arith.addf %add3A_199, %add3A_200 : vector<256x256xf32>
    %mul3A_202 = arith.constant 2.000000e+00 : f32
    %mul3A_203 = vector.broadcast %mul3A_202 : f32 to vector<256x256xf32>
    %mul3A_204 = arith.mulf %mul3A_203, %dot_general3A_198 : vector<256x256xf32>
    %sub3A_205 = arith.subf %add3A_201, %mul3A_204 : vector<256x256xf32>
    %reduce_min3A_206 = arith.constant dense<0x7F800000> : vector<256xf32>
    %reduce_min3A_207 = vector.multi_reduction <minimumf>, %sub3A_205, %reduce_min3A_206 [0] : vector<256x256xf32> to vector<256xf32>
    %broadcast_in_dim3A_208 = vector.shape_cast %reduce_min3A_207 : vector<256xf32> to vector<1x256xf32>
    %add3A_209 = arith.constant 1.536000e+03 : f32
    %add3A_210 = vector.broadcast %add3A_209 : f32 to vector<256x256xf32>
    %add3A_211 = arith.addf %convert_element_type3A, %add3A_210 : vector<256x256xf32>
    %le3A_212 = vector.broadcast %broadcast_in_dim3A_208 : vector<1x256xf32> to vector<256x256xf32>
    %le3A_213 = arith.cmpf ole, %sub3A_205, %le3A_212 : vector<256x256xf32>
    %jit3A_214 = arith.constant 8.192000e+03 : f32
    %broadcast_in_dim3A_215 = vector.broadcast %jit3A_214 : f32 to vector<256x256xf32>
    %select_n3A_216 = arith.select %le3A_213, %add3A_211, %broadcast_in_dim3A_215 : vector<256x256xi1>, vector<256x256xf32>
    %reduce_min3A_217 = arith.constant dense<0x7F800000> : vector<256xf32>
    %reduce_min3A_218 = vector.multi_reduction <minimumf>, %select_n3A_216, %reduce_min3A_217 [0] : vector<256x256xf32> to vector<256xf32>
    %broadcast_in_dim3A_219 = vector.shape_cast %reduce_min3A_218 : vector<256xf32> to vector<1x256xf32>
    %lt3A_220 = arith.cmpf olt, %broadcast_in_dim3A_208, %select_n3A_189 : vector<1x256xf32>
    %select_n3A_221 = arith.select %lt3A_220, %broadcast_in_dim3A_208, %select_n3A_189 : vector<1x256xi1>, vector<1x256xf32>
    %select_n3A_222 = arith.select %lt3A_220, %broadcast_in_dim3A_219, %select_n3A_190 : vector<1x256xi1>, vector<1x256xf32>
    %get3A_223 = arith.constant 1792 : index
    %get3A_224 = arith.constant 0 : index
    %get3A_225 = vector.load %arg2[%get3A_223, %get3A_224] : memref<8192x64xf32, #tpu.memory_space<vmem>>, vector<256x64xf32>
    %get3A_226 = arith.constant 1792 : index
    %get3A_227 = arith.constant 0 : index
    %get3A_228 = vector.load %arg3[%get3A_226, %get3A_227] : memref<8192x1xf32, #tpu.memory_space<vmem>>, vector<256x1xf32>
    %dot_general3A_229 = arith.constant dense<0.000000e+00> : vector<256x256xf32>
    %dot_general3A_230 = tpu.matmul %get3A_225, %div3A_4, %dot_general3A_229 {dimension_numbers = #tpu.dot_dimension_numbers<[1], [1], [0], [0], [0, 0, 1, 0], [], []>, transpose_lhs_hint = false} : vector<256x64xf32>, vector<256x64xf32>, vector<256x256xf32> -> vector<256x256xf32>
    %add3A_231 = vector.broadcast %transpose3A : vector<1x256xf32> to vector<256x256xf32>
    %add3A_232 = vector.broadcast %get3A_228 : vector<256x1xf32> to vector<256x256xf32>
    %add3A_233 = arith.addf %add3A_231, %add3A_232 : vector<256x256xf32>
    %mul3A_234 = arith.constant 2.000000e+00 : f32
    %mul3A_235 = vector.broadcast %mul3A_234 : f32 to vector<256x256xf32>
    %mul3A_236 = arith.mulf %mul3A_235, %dot_general3A_230 : vector<256x256xf32>
    %sub3A_237 = arith.subf %add3A_233, %mul3A_236 : vector<256x256xf32>
    %reduce_min3A_238 = arith.constant dense<0x7F800000> : vector<256xf32>
    %reduce_min3A_239 = vector.multi_reduction <minimumf>, %sub3A_237, %reduce_min3A_238 [0] : vector<256x256xf32> to vector<256xf32>
    %broadcast_in_dim3A_240 = vector.shape_cast %reduce_min3A_239 : vector<256xf32> to vector<1x256xf32>
    %add3A_241 = arith.constant 1.792000e+03 : f32
    %add3A_242 = vector.broadcast %add3A_241 : f32 to vector<256x256xf32>
    %add3A_243 = arith.addf %convert_element_type3A, %add3A_242 : vector<256x256xf32>
    %le3A_244 = vector.broadcast %broadcast_in_dim3A_240 : vector<1x256xf32> to vector<256x256xf32>
    %le3A_245 = arith.cmpf ole, %sub3A_237, %le3A_244 : vector<256x256xf32>
    %jit3A_246 = arith.constant 8.192000e+03 : f32
    %broadcast_in_dim3A_247 = vector.broadcast %jit3A_246 : f32 to vector<256x256xf32>
    %select_n3A_248 = arith.select %le3A_245, %add3A_243, %broadcast_in_dim3A_247 : vector<256x256xi1>, vector<256x256xf32>
    %reduce_min3A_249 = arith.constant dense<0x7F800000> : vector<256xf32>
    %reduce_min3A_250 = vector.multi_reduction <minimumf>, %select_n3A_248, %reduce_min3A_249 [0] : vector<256x256xf32> to vector<256xf32>
    %broadcast_in_dim3A_251 = vector.shape_cast %reduce_min3A_250 : vector<256xf32> to vector<1x256xf32>
    %lt3A_252 = arith.cmpf olt, %broadcast_in_dim3A_240, %select_n3A_221 : vector<1x256xf32>
    %select_n3A_253 = arith.select %lt3A_252, %broadcast_in_dim3A_240, %select_n3A_221 : vector<1x256xi1>, vector<1x256xf32>
    %select_n3A_254 = arith.select %lt3A_252, %broadcast_in_dim3A_251, %select_n3A_222 : vector<1x256xi1>, vector<1x256xf32>
    %get3A_255 = arith.constant 2048 : index
    %get3A_256 = arith.constant 0 : index
    %get3A_257 = vector.load %arg2[%get3A_255, %get3A_256] : memref<8192x64xf32, #tpu.memory_space<vmem>>, vector<256x64xf32>
    %get3A_258 = arith.constant 2048 : index
    %get3A_259 = arith.constant 0 : index
    %get3A_260 = vector.load %arg3[%get3A_258, %get3A_259] : memref<8192x1xf32, #tpu.memory_space<vmem>>, vector<256x1xf32>
    %dot_general3A_261 = arith.constant dense<0.000000e+00> : vector<256x256xf32>
    %dot_general3A_262 = tpu.matmul %get3A_257, %div3A_4, %dot_general3A_261 {dimension_numbers = #tpu.dot_dimension_numbers<[1], [1], [0], [0], [0, 0, 1, 0], [], []>, transpose_lhs_hint = false} : vector<256x64xf32>, vector<256x64xf32>, vector<256x256xf32> -> vector<256x256xf32>
    %add3A_263 = vector.broadcast %transpose3A : vector<1x256xf32> to vector<256x256xf32>
    %add3A_264 = vector.broadcast %get3A_260 : vector<256x1xf32> to vector<256x256xf32>
    %add3A_265 = arith.addf %add3A_263, %add3A_264 : vector<256x256xf32>
    %mul3A_266 = arith.constant 2.000000e+00 : f32
    %mul3A_267 = vector.broadcast %mul3A_266 : f32 to vector<256x256xf32>
    %mul3A_268 = arith.mulf %mul3A_267, %dot_general3A_262 : vector<256x256xf32>
    %sub3A_269 = arith.subf %add3A_265, %mul3A_268 : vector<256x256xf32>
    %reduce_min3A_270 = arith.constant dense<0x7F800000> : vector<256xf32>
    %reduce_min3A_271 = vector.multi_reduction <minimumf>, %sub3A_269, %reduce_min3A_270 [0] : vector<256x256xf32> to vector<256xf32>
    %broadcast_in_dim3A_272 = vector.shape_cast %reduce_min3A_271 : vector<256xf32> to vector<1x256xf32>
    %add3A_273 = arith.constant 2.048000e+03 : f32
    %add3A_274 = vector.broadcast %add3A_273 : f32 to vector<256x256xf32>
    %add3A_275 = arith.addf %convert_element_type3A, %add3A_274 : vector<256x256xf32>
    %le3A_276 = vector.broadcast %broadcast_in_dim3A_272 : vector<1x256xf32> to vector<256x256xf32>
    %le3A_277 = arith.cmpf ole, %sub3A_269, %le3A_276 : vector<256x256xf32>
    %jit3A_278 = arith.constant 8.192000e+03 : f32
    %broadcast_in_dim3A_279 = vector.broadcast %jit3A_278 : f32 to vector<256x256xf32>
    %select_n3A_280 = arith.select %le3A_277, %add3A_275, %broadcast_in_dim3A_279 : vector<256x256xi1>, vector<256x256xf32>
    %reduce_min3A_281 = arith.constant dense<0x7F800000> : vector<256xf32>
    %reduce_min3A_282 = vector.multi_reduction <minimumf>, %select_n3A_280, %reduce_min3A_281 [0] : vector<256x256xf32> to vector<256xf32>
    %broadcast_in_dim3A_283 = vector.shape_cast %reduce_min3A_282 : vector<256xf32> to vector<1x256xf32>
    %lt3A_284 = arith.cmpf olt, %broadcast_in_dim3A_272, %select_n3A_253 : vector<1x256xf32>
    %select_n3A_285 = arith.select %lt3A_284, %broadcast_in_dim3A_272, %select_n3A_253 : vector<1x256xi1>, vector<1x256xf32>
    %select_n3A_286 = arith.select %lt3A_284, %broadcast_in_dim3A_283, %select_n3A_254 : vector<1x256xi1>, vector<1x256xf32>
    %get3A_287 = arith.constant 2304 : index
    %get3A_288 = arith.constant 0 : index
    %get3A_289 = vector.load %arg2[%get3A_287, %get3A_288] : memref<8192x64xf32, #tpu.memory_space<vmem>>, vector<256x64xf32>
    %get3A_290 = arith.constant 2304 : index
    %get3A_291 = arith.constant 0 : index
    %get3A_292 = vector.load %arg3[%get3A_290, %get3A_291] : memref<8192x1xf32, #tpu.memory_space<vmem>>, vector<256x1xf32>
    %dot_general3A_293 = arith.constant dense<0.000000e+00> : vector<256x256xf32>
    %dot_general3A_294 = tpu.matmul %get3A_289, %div3A_4, %dot_general3A_293 {dimension_numbers = #tpu.dot_dimension_numbers<[1], [1], [0], [0], [0, 0, 1, 0], [], []>, transpose_lhs_hint = false} : vector<256x64xf32>, vector<256x64xf32>, vector<256x256xf32> -> vector<256x256xf32>
    %add3A_295 = vector.broadcast %transpose3A : vector<1x256xf32> to vector<256x256xf32>
    %add3A_296 = vector.broadcast %get3A_292 : vector<256x1xf32> to vector<256x256xf32>
    %add3A_297 = arith.addf %add3A_295, %add3A_296 : vector<256x256xf32>
    %mul3A_298 = arith.constant 2.000000e+00 : f32
    %mul3A_299 = vector.broadcast %mul3A_298 : f32 to vector<256x256xf32>
    %mul3A_300 = arith.mulf %mul3A_299, %dot_general3A_294 : vector<256x256xf32>
    %sub3A_301 = arith.subf %add3A_297, %mul3A_300 : vector<256x256xf32>
    %reduce_min3A_302 = arith.constant dense<0x7F800000> : vector<256xf32>
    %reduce_min3A_303 = vector.multi_reduction <minimumf>, %sub3A_301, %reduce_min3A_302 [0] : vector<256x256xf32> to vector<256xf32>
    %broadcast_in_dim3A_304 = vector.shape_cast %reduce_min3A_303 : vector<256xf32> to vector<1x256xf32>
    %add3A_305 = arith.constant 2.304000e+03 : f32
    %add3A_306 = vector.broadcast %add3A_305 : f32 to vector<256x256xf32>
    %add3A_307 = arith.addf %convert_element_type3A, %add3A_306 : vector<256x256xf32>
    %le3A_308 = vector.broadcast %broadcast_in_dim3A_304 : vector<1x256xf32> to vector<256x256xf32>
    %le3A_309 = arith.cmpf ole, %sub3A_301, %le3A_308 : vector<256x256xf32>
    %jit3A_310 = arith.constant 8.192000e+03 : f32
    %broadcast_in_dim3A_311 = vector.broadcast %jit3A_310 : f32 to vector<256x256xf32>
    %select_n3A_312 = arith.select %le3A_309, %add3A_307, %broadcast_in_dim3A_311 : vector<256x256xi1>, vector<256x256xf32>
    %reduce_min3A_313 = arith.constant dense<0x7F800000> : vector<256xf32>
    %reduce_min3A_314 = vector.multi_reduction <minimumf>, %select_n3A_312, %reduce_min3A_313 [0] : vector<256x256xf32> to vector<256xf32>
    %broadcast_in_dim3A_315 = vector.shape_cast %reduce_min3A_314 : vector<256xf32> to vector<1x256xf32>
    %lt3A_316 = arith.cmpf olt, %broadcast_in_dim3A_304, %select_n3A_285 : vector<1x256xf32>
    %select_n3A_317 = arith.select %lt3A_316, %broadcast_in_dim3A_304, %select_n3A_285 : vector<1x256xi1>, vector<1x256xf32>
    %select_n3A_318 = arith.select %lt3A_316, %broadcast_in_dim3A_315, %select_n3A_286 : vector<1x256xi1>, vector<1x256xf32>
    %get3A_319 = arith.constant 2560 : index
    %get3A_320 = arith.constant 0 : index
    %get3A_321 = vector.load %arg2[%get3A_319, %get3A_320] : memref<8192x64xf32, #tpu.memory_space<vmem>>, vector<256x64xf32>
    %get3A_322 = arith.constant 2560 : index
    %get3A_323 = arith.constant 0 : index
    %get3A_324 = vector.load %arg3[%get3A_322, %get3A_323] : memref<8192x1xf32, #tpu.memory_space<vmem>>, vector<256x1xf32>
    %dot_general3A_325 = arith.constant dense<0.000000e+00> : vector<256x256xf32>
    %dot_general3A_326 = tpu.matmul %get3A_321, %div3A_4, %dot_general3A_325 {dimension_numbers = #tpu.dot_dimension_numbers<[1], [1], [0], [0], [0, 0, 1, 0], [], []>, transpose_lhs_hint = false} : vector<256x64xf32>, vector<256x64xf32>, vector<256x256xf32> -> vector<256x256xf32>
    %add3A_327 = vector.broadcast %transpose3A : vector<1x256xf32> to vector<256x256xf32>
    %add3A_328 = vector.broadcast %get3A_324 : vector<256x1xf32> to vector<256x256xf32>
    %add3A_329 = arith.addf %add3A_327, %add3A_328 : vector<256x256xf32>
    %mul3A_330 = arith.constant 2.000000e+00 : f32
    %mul3A_331 = vector.broadcast %mul3A_330 : f32 to vector<256x256xf32>
    %mul3A_332 = arith.mulf %mul3A_331, %dot_general3A_326 : vector<256x256xf32>
    %sub3A_333 = arith.subf %add3A_329, %mul3A_332 : vector<256x256xf32>
    %reduce_min3A_334 = arith.constant dense<0x7F800000> : vector<256xf32>
    %reduce_min3A_335 = vector.multi_reduction <minimumf>, %sub3A_333, %reduce_min3A_334 [0] : vector<256x256xf32> to vector<256xf32>
    %broadcast_in_dim3A_336 = vector.shape_cast %reduce_min3A_335 : vector<256xf32> to vector<1x256xf32>
    %add3A_337 = arith.constant 2.560000e+03 : f32
    %add3A_338 = vector.broadcast %add3A_337 : f32 to vector<256x256xf32>
    %add3A_339 = arith.addf %convert_element_type3A, %add3A_338 : vector<256x256xf32>
    %le3A_340 = vector.broadcast %broadcast_in_dim3A_336 : vector<1x256xf32> to vector<256x256xf32>
    %le3A_341 = arith.cmpf ole, %sub3A_333, %le3A_340 : vector<256x256xf32>
    %jit3A_342 = arith.constant 8.192000e+03 : f32
    %broadcast_in_dim3A_343 = vector.broadcast %jit3A_342 : f32 to vector<256x256xf32>
    %select_n3A_344 = arith.select %le3A_341, %add3A_339, %broadcast_in_dim3A_343 : vector<256x256xi1>, vector<256x256xf32>
    %reduce_min3A_345 = arith.constant dense<0x7F800000> : vector<256xf32>
    %reduce_min3A_346 = vector.multi_reduction <minimumf>, %select_n3A_344, %reduce_min3A_345 [0] : vector<256x256xf32> to vector<256xf32>
    %broadcast_in_dim3A_347 = vector.shape_cast %reduce_min3A_346 : vector<256xf32> to vector<1x256xf32>
    %lt3A_348 = arith.cmpf olt, %broadcast_in_dim3A_336, %select_n3A_317 : vector<1x256xf32>
    %select_n3A_349 = arith.select %lt3A_348, %broadcast_in_dim3A_336, %select_n3A_317 : vector<1x256xi1>, vector<1x256xf32>
    %select_n3A_350 = arith.select %lt3A_348, %broadcast_in_dim3A_347, %select_n3A_318 : vector<1x256xi1>, vector<1x256xf32>
    %get3A_351 = arith.constant 2816 : index
    %get3A_352 = arith.constant 0 : index
    %get3A_353 = vector.load %arg2[%get3A_351, %get3A_352] : memref<8192x64xf32, #tpu.memory_space<vmem>>, vector<256x64xf32>
    %get3A_354 = arith.constant 2816 : index
    %get3A_355 = arith.constant 0 : index
    %get3A_356 = vector.load %arg3[%get3A_354, %get3A_355] : memref<8192x1xf32, #tpu.memory_space<vmem>>, vector<256x1xf32>
    %dot_general3A_357 = arith.constant dense<0.000000e+00> : vector<256x256xf32>
    %dot_general3A_358 = tpu.matmul %get3A_353, %div3A_4, %dot_general3A_357 {dimension_numbers = #tpu.dot_dimension_numbers<[1], [1], [0], [0], [0, 0, 1, 0], [], []>, transpose_lhs_hint = false} : vector<256x64xf32>, vector<256x64xf32>, vector<256x256xf32> -> vector<256x256xf32>
    %add3A_359 = vector.broadcast %transpose3A : vector<1x256xf32> to vector<256x256xf32>
    %add3A_360 = vector.broadcast %get3A_356 : vector<256x1xf32> to vector<256x256xf32>
    %add3A_361 = arith.addf %add3A_359, %add3A_360 : vector<256x256xf32>
    %mul3A_362 = arith.constant 2.000000e+00 : f32
    %mul3A_363 = vector.broadcast %mul3A_362 : f32 to vector<256x256xf32>
    %mul3A_364 = arith.mulf %mul3A_363, %dot_general3A_358 : vector<256x256xf32>
    %sub3A_365 = arith.subf %add3A_361, %mul3A_364 : vector<256x256xf32>
    %reduce_min3A_366 = arith.constant dense<0x7F800000> : vector<256xf32>
    %reduce_min3A_367 = vector.multi_reduction <minimumf>, %sub3A_365, %reduce_min3A_366 [0] : vector<256x256xf32> to vector<256xf32>
    %broadcast_in_dim3A_368 = vector.shape_cast %reduce_min3A_367 : vector<256xf32> to vector<1x256xf32>
    %add3A_369 = arith.constant 2.816000e+03 : f32
    %add3A_370 = vector.broadcast %add3A_369 : f32 to vector<256x256xf32>
    %add3A_371 = arith.addf %convert_element_type3A, %add3A_370 : vector<256x256xf32>
    %le3A_372 = vector.broadcast %broadcast_in_dim3A_368 : vector<1x256xf32> to vector<256x256xf32>
    %le3A_373 = arith.cmpf ole, %sub3A_365, %le3A_372 : vector<256x256xf32>
    %jit3A_374 = arith.constant 8.192000e+03 : f32
    %broadcast_in_dim3A_375 = vector.broadcast %jit3A_374 : f32 to vector<256x256xf32>
    %select_n3A_376 = arith.select %le3A_373, %add3A_371, %broadcast_in_dim3A_375 : vector<256x256xi1>, vector<256x256xf32>
    %reduce_min3A_377 = arith.constant dense<0x7F800000> : vector<256xf32>
    %reduce_min3A_378 = vector.multi_reduction <minimumf>, %select_n3A_376, %reduce_min3A_377 [0] : vector<256x256xf32> to vector<256xf32>
    %broadcast_in_dim3A_379 = vector.shape_cast %reduce_min3A_378 : vector<256xf32> to vector<1x256xf32>
    %lt3A_380 = arith.cmpf olt, %broadcast_in_dim3A_368, %select_n3A_349 : vector<1x256xf32>
    %select_n3A_381 = arith.select %lt3A_380, %broadcast_in_dim3A_368, %select_n3A_349 : vector<1x256xi1>, vector<1x256xf32>
    %select_n3A_382 = arith.select %lt3A_380, %broadcast_in_dim3A_379, %select_n3A_350 : vector<1x256xi1>, vector<1x256xf32>
    %get3A_383 = arith.constant 3072 : index
    %get3A_384 = arith.constant 0 : index
    %get3A_385 = vector.load %arg2[%get3A_383, %get3A_384] : memref<8192x64xf32, #tpu.memory_space<vmem>>, vector<256x64xf32>
    %get3A_386 = arith.constant 3072 : index
    %get3A_387 = arith.constant 0 : index
    %get3A_388 = vector.load %arg3[%get3A_386, %get3A_387] : memref<8192x1xf32, #tpu.memory_space<vmem>>, vector<256x1xf32>
    %dot_general3A_389 = arith.constant dense<0.000000e+00> : vector<256x256xf32>
    %dot_general3A_390 = tpu.matmul %get3A_385, %div3A_4, %dot_general3A_389 {dimension_numbers = #tpu.dot_dimension_numbers<[1], [1], [0], [0], [0, 0, 1, 0], [], []>, transpose_lhs_hint = false} : vector<256x64xf32>, vector<256x64xf32>, vector<256x256xf32> -> vector<256x256xf32>
    %add3A_391 = vector.broadcast %transpose3A : vector<1x256xf32> to vector<256x256xf32>
    %add3A_392 = vector.broadcast %get3A_388 : vector<256x1xf32> to vector<256x256xf32>
    %add3A_393 = arith.addf %add3A_391, %add3A_392 : vector<256x256xf32>
    %mul3A_394 = arith.constant 2.000000e+00 : f32
    %mul3A_395 = vector.broadcast %mul3A_394 : f32 to vector<256x256xf32>
    %mul3A_396 = arith.mulf %mul3A_395, %dot_general3A_390 : vector<256x256xf32>
    %sub3A_397 = arith.subf %add3A_393, %mul3A_396 : vector<256x256xf32>
    %reduce_min3A_398 = arith.constant dense<0x7F800000> : vector<256xf32>
    %reduce_min3A_399 = vector.multi_reduction <minimumf>, %sub3A_397, %reduce_min3A_398 [0] : vector<256x256xf32> to vector<256xf32>
    %broadcast_in_dim3A_400 = vector.shape_cast %reduce_min3A_399 : vector<256xf32> to vector<1x256xf32>
    %add3A_401 = arith.constant 3.072000e+03 : f32
    %add3A_402 = vector.broadcast %add3A_401 : f32 to vector<256x256xf32>
    %add3A_403 = arith.addf %convert_element_type3A, %add3A_402 : vector<256x256xf32>
    %le3A_404 = vector.broadcast %broadcast_in_dim3A_400 : vector<1x256xf32> to vector<256x256xf32>
    %le3A_405 = arith.cmpf ole, %sub3A_397, %le3A_404 : vector<256x256xf32>
    %jit3A_406 = arith.constant 8.192000e+03 : f32
    %broadcast_in_dim3A_407 = vector.broadcast %jit3A_406 : f32 to vector<256x256xf32>
    %select_n3A_408 = arith.select %le3A_405, %add3A_403, %broadcast_in_dim3A_407 : vector<256x256xi1>, vector<256x256xf32>
    %reduce_min3A_409 = arith.constant dense<0x7F800000> : vector<256xf32>
    %reduce_min3A_410 = vector.multi_reduction <minimumf>, %select_n3A_408, %reduce_min3A_409 [0] : vector<256x256xf32> to vector<256xf32>
    %broadcast_in_dim3A_411 = vector.shape_cast %reduce_min3A_410 : vector<256xf32> to vector<1x256xf32>
    %lt3A_412 = arith.cmpf olt, %broadcast_in_dim3A_400, %select_n3A_381 : vector<1x256xf32>
    %select_n3A_413 = arith.select %lt3A_412, %broadcast_in_dim3A_400, %select_n3A_381 : vector<1x256xi1>, vector<1x256xf32>
    %select_n3A_414 = arith.select %lt3A_412, %broadcast_in_dim3A_411, %select_n3A_382 : vector<1x256xi1>, vector<1x256xf32>
    %get3A_415 = arith.constant 3328 : index
    %get3A_416 = arith.constant 0 : index
    %get3A_417 = vector.load %arg2[%get3A_415, %get3A_416] : memref<8192x64xf32, #tpu.memory_space<vmem>>, vector<256x64xf32>
    %get3A_418 = arith.constant 3328 : index
    %get3A_419 = arith.constant 0 : index
    %get3A_420 = vector.load %arg3[%get3A_418, %get3A_419] : memref<8192x1xf32, #tpu.memory_space<vmem>>, vector<256x1xf32>
    %dot_general3A_421 = arith.constant dense<0.000000e+00> : vector<256x256xf32>
    %dot_general3A_422 = tpu.matmul %get3A_417, %div3A_4, %dot_general3A_421 {dimension_numbers = #tpu.dot_dimension_numbers<[1], [1], [0], [0], [0, 0, 1, 0], [], []>, transpose_lhs_hint = false} : vector<256x64xf32>, vector<256x64xf32>, vector<256x256xf32> -> vector<256x256xf32>
    %add3A_423 = vector.broadcast %transpose3A : vector<1x256xf32> to vector<256x256xf32>
    %add3A_424 = vector.broadcast %get3A_420 : vector<256x1xf32> to vector<256x256xf32>
    %add3A_425 = arith.addf %add3A_423, %add3A_424 : vector<256x256xf32>
    %mul3A_426 = arith.constant 2.000000e+00 : f32
    %mul3A_427 = vector.broadcast %mul3A_426 : f32 to vector<256x256xf32>
    %mul3A_428 = arith.mulf %mul3A_427, %dot_general3A_422 : vector<256x256xf32>
    %sub3A_429 = arith.subf %add3A_425, %mul3A_428 : vector<256x256xf32>
    %reduce_min3A_430 = arith.constant dense<0x7F800000> : vector<256xf32>
    %reduce_min3A_431 = vector.multi_reduction <minimumf>, %sub3A_429, %reduce_min3A_430 [0] : vector<256x256xf32> to vector<256xf32>
    %broadcast_in_dim3A_432 = vector.shape_cast %reduce_min3A_431 : vector<256xf32> to vector<1x256xf32>
    %add3A_433 = arith.constant 3.328000e+03 : f32
    %add3A_434 = vector.broadcast %add3A_433 : f32 to vector<256x256xf32>
    %add3A_435 = arith.addf %convert_element_type3A, %add3A_434 : vector<256x256xf32>
    %le3A_436 = vector.broadcast %broadcast_in_dim3A_432 : vector<1x256xf32> to vector<256x256xf32>
    %le3A_437 = arith.cmpf ole, %sub3A_429, %le3A_436 : vector<256x256xf32>
    %jit3A_438 = arith.constant 8.192000e+03 : f32
    %broadcast_in_dim3A_439 = vector.broadcast %jit3A_438 : f32 to vector<256x256xf32>
    %select_n3A_440 = arith.select %le3A_437, %add3A_435, %broadcast_in_dim3A_439 : vector<256x256xi1>, vector<256x256xf32>
    %reduce_min3A_441 = arith.constant dense<0x7F800000> : vector<256xf32>
    %reduce_min3A_442 = vector.multi_reduction <minimumf>, %select_n3A_440, %reduce_min3A_441 [0] : vector<256x256xf32> to vector<256xf32>
    %broadcast_in_dim3A_443 = vector.shape_cast %reduce_min3A_442 : vector<256xf32> to vector<1x256xf32>
    %lt3A_444 = arith.cmpf olt, %broadcast_in_dim3A_432, %select_n3A_413 : vector<1x256xf32>
    %select_n3A_445 = arith.select %lt3A_444, %broadcast_in_dim3A_432, %select_n3A_413 : vector<1x256xi1>, vector<1x256xf32>
    %select_n3A_446 = arith.select %lt3A_444, %broadcast_in_dim3A_443, %select_n3A_414 : vector<1x256xi1>, vector<1x256xf32>
    %get3A_447 = arith.constant 3584 : index
    %get3A_448 = arith.constant 0 : index
    %get3A_449 = vector.load %arg2[%get3A_447, %get3A_448] : memref<8192x64xf32, #tpu.memory_space<vmem>>, vector<256x64xf32>
    %get3A_450 = arith.constant 3584 : index
    %get3A_451 = arith.constant 0 : index
    %get3A_452 = vector.load %arg3[%get3A_450, %get3A_451] : memref<8192x1xf32, #tpu.memory_space<vmem>>, vector<256x1xf32>
    %dot_general3A_453 = arith.constant dense<0.000000e+00> : vector<256x256xf32>
    %dot_general3A_454 = tpu.matmul %get3A_449, %div3A_4, %dot_general3A_453 {dimension_numbers = #tpu.dot_dimension_numbers<[1], [1], [0], [0], [0, 0, 1, 0], [], []>, transpose_lhs_hint = false} : vector<256x64xf32>, vector<256x64xf32>, vector<256x256xf32> -> vector<256x256xf32>
    %add3A_455 = vector.broadcast %transpose3A : vector<1x256xf32> to vector<256x256xf32>
    %add3A_456 = vector.broadcast %get3A_452 : vector<256x1xf32> to vector<256x256xf32>
    %add3A_457 = arith.addf %add3A_455, %add3A_456 : vector<256x256xf32>
    %mul3A_458 = arith.constant 2.000000e+00 : f32
    %mul3A_459 = vector.broadcast %mul3A_458 : f32 to vector<256x256xf32>
    %mul3A_460 = arith.mulf %mul3A_459, %dot_general3A_454 : vector<256x256xf32>
    %sub3A_461 = arith.subf %add3A_457, %mul3A_460 : vector<256x256xf32>
    %reduce_min3A_462 = arith.constant dense<0x7F800000> : vector<256xf32>
    %reduce_min3A_463 = vector.multi_reduction <minimumf>, %sub3A_461, %reduce_min3A_462 [0] : vector<256x256xf32> to vector<256xf32>
    %broadcast_in_dim3A_464 = vector.shape_cast %reduce_min3A_463 : vector<256xf32> to vector<1x256xf32>
    %add3A_465 = arith.constant 3.584000e+03 : f32
    %add3A_466 = vector.broadcast %add3A_465 : f32 to vector<256x256xf32>
    %add3A_467 = arith.addf %convert_element_type3A, %add3A_466 : vector<256x256xf32>
    %le3A_468 = vector.broadcast %broadcast_in_dim3A_464 : vector<1x256xf32> to vector<256x256xf32>
    %le3A_469 = arith.cmpf ole, %sub3A_461, %le3A_468 : vector<256x256xf32>
    %jit3A_470 = arith.constant 8.192000e+03 : f32
    %broadcast_in_dim3A_471 = vector.broadcast %jit3A_470 : f32 to vector<256x256xf32>
    %select_n3A_472 = arith.select %le3A_469, %add3A_467, %broadcast_in_dim3A_471 : vector<256x256xi1>, vector<256x256xf32>
    %reduce_min3A_473 = arith.constant dense<0x7F800000> : vector<256xf32>
    %reduce_min3A_474 = vector.multi_reduction <minimumf>, %select_n3A_472, %reduce_min3A_473 [0] : vector<256x256xf32> to vector<256xf32>
    %broadcast_in_dim3A_475 = vector.shape_cast %reduce_min3A_474 : vector<256xf32> to vector<1x256xf32>
    %lt3A_476 = arith.cmpf olt, %broadcast_in_dim3A_464, %select_n3A_445 : vector<1x256xf32>
    %select_n3A_477 = arith.select %lt3A_476, %broadcast_in_dim3A_464, %select_n3A_445 : vector<1x256xi1>, vector<1x256xf32>
    %select_n3A_478 = arith.select %lt3A_476, %broadcast_in_dim3A_475, %select_n3A_446 : vector<1x256xi1>, vector<1x256xf32>
    %get3A_479 = arith.constant 3840 : index
    %get3A_480 = arith.constant 0 : index
    %get3A_481 = vector.load %arg2[%get3A_479, %get3A_480] : memref<8192x64xf32, #tpu.memory_space<vmem>>, vector<256x64xf32>
    %get3A_482 = arith.constant 3840 : index
    %get3A_483 = arith.constant 0 : index
    %get3A_484 = vector.load %arg3[%get3A_482, %get3A_483] : memref<8192x1xf32, #tpu.memory_space<vmem>>, vector<256x1xf32>
    %dot_general3A_485 = arith.constant dense<0.000000e+00> : vector<256x256xf32>
    %dot_general3A_486 = tpu.matmul %get3A_481, %div3A_4, %dot_general3A_485 {dimension_numbers = #tpu.dot_dimension_numbers<[1], [1], [0], [0], [0, 0, 1, 0], [], []>, transpose_lhs_hint = false} : vector<256x64xf32>, vector<256x64xf32>, vector<256x256xf32> -> vector<256x256xf32>
    %add3A_487 = vector.broadcast %transpose3A : vector<1x256xf32> to vector<256x256xf32>
    %add3A_488 = vector.broadcast %get3A_484 : vector<256x1xf32> to vector<256x256xf32>
    %add3A_489 = arith.addf %add3A_487, %add3A_488 : vector<256x256xf32>
    %mul3A_490 = arith.constant 2.000000e+00 : f32
    %mul3A_491 = vector.broadcast %mul3A_490 : f32 to vector<256x256xf32>
    %mul3A_492 = arith.mulf %mul3A_491, %dot_general3A_486 : vector<256x256xf32>
    %sub3A_493 = arith.subf %add3A_489, %mul3A_492 : vector<256x256xf32>
    %reduce_min3A_494 = arith.constant dense<0x7F800000> : vector<256xf32>
    %reduce_min3A_495 = vector.multi_reduction <minimumf>, %sub3A_493, %reduce_min3A_494 [0] : vector<256x256xf32> to vector<256xf32>
    %broadcast_in_dim3A_496 = vector.shape_cast %reduce_min3A_495 : vector<256xf32> to vector<1x256xf32>
    %add3A_497 = arith.constant 3.840000e+03 : f32
    %add3A_498 = vector.broadcast %add3A_497 : f32 to vector<256x256xf32>
    %add3A_499 = arith.addf %convert_element_type3A, %add3A_498 : vector<256x256xf32>
    %le3A_500 = vector.broadcast %broadcast_in_dim3A_496 : vector<1x256xf32> to vector<256x256xf32>
    %le3A_501 = arith.cmpf ole, %sub3A_493, %le3A_500 : vector<256x256xf32>
    %jit3A_502 = arith.constant 8.192000e+03 : f32
    %broadcast_in_dim3A_503 = vector.broadcast %jit3A_502 : f32 to vector<256x256xf32>
    %select_n3A_504 = arith.select %le3A_501, %add3A_499, %broadcast_in_dim3A_503 : vector<256x256xi1>, vector<256x256xf32>
    %reduce_min3A_505 = arith.constant dense<0x7F800000> : vector<256xf32>
    %reduce_min3A_506 = vector.multi_reduction <minimumf>, %select_n3A_504, %reduce_min3A_505 [0] : vector<256x256xf32> to vector<256xf32>
    %broadcast_in_dim3A_507 = vector.shape_cast %reduce_min3A_506 : vector<256xf32> to vector<1x256xf32>
    %lt3A_508 = arith.cmpf olt, %broadcast_in_dim3A_496, %select_n3A_477 : vector<1x256xf32>
    %select_n3A_509 = arith.select %lt3A_508, %broadcast_in_dim3A_496, %select_n3A_477 : vector<1x256xi1>, vector<1x256xf32>
    %select_n3A_510 = arith.select %lt3A_508, %broadcast_in_dim3A_507, %select_n3A_478 : vector<1x256xi1>, vector<1x256xf32>
    %get3A_511 = arith.constant 4096 : index
    %get3A_512 = arith.constant 0 : index
    %get3A_513 = vector.load %arg2[%get3A_511, %get3A_512] : memref<8192x64xf32, #tpu.memory_space<vmem>>, vector<256x64xf32>
    %get3A_514 = arith.constant 4096 : index
    %get3A_515 = arith.constant 0 : index
    %get3A_516 = vector.load %arg3[%get3A_514, %get3A_515] : memref<8192x1xf32, #tpu.memory_space<vmem>>, vector<256x1xf32>
    %dot_general3A_517 = arith.constant dense<0.000000e+00> : vector<256x256xf32>
    %dot_general3A_518 = tpu.matmul %get3A_513, %div3A_4, %dot_general3A_517 {dimension_numbers = #tpu.dot_dimension_numbers<[1], [1], [0], [0], [0, 0, 1, 0], [], []>, transpose_lhs_hint = false} : vector<256x64xf32>, vector<256x64xf32>, vector<256x256xf32> -> vector<256x256xf32>
    %add3A_519 = vector.broadcast %transpose3A : vector<1x256xf32> to vector<256x256xf32>
    %add3A_520 = vector.broadcast %get3A_516 : vector<256x1xf32> to vector<256x256xf32>
    %add3A_521 = arith.addf %add3A_519, %add3A_520 : vector<256x256xf32>
    %mul3A_522 = arith.constant 2.000000e+00 : f32
    %mul3A_523 = vector.broadcast %mul3A_522 : f32 to vector<256x256xf32>
    %mul3A_524 = arith.mulf %mul3A_523, %dot_general3A_518 : vector<256x256xf32>
    %sub3A_525 = arith.subf %add3A_521, %mul3A_524 : vector<256x256xf32>
    %reduce_min3A_526 = arith.constant dense<0x7F800000> : vector<256xf32>
    %reduce_min3A_527 = vector.multi_reduction <minimumf>, %sub3A_525, %reduce_min3A_526 [0] : vector<256x256xf32> to vector<256xf32>
    %broadcast_in_dim3A_528 = vector.shape_cast %reduce_min3A_527 : vector<256xf32> to vector<1x256xf32>
    %add3A_529 = arith.constant 4.096000e+03 : f32
    %add3A_530 = vector.broadcast %add3A_529 : f32 to vector<256x256xf32>
    %add3A_531 = arith.addf %convert_element_type3A, %add3A_530 : vector<256x256xf32>
    %le3A_532 = vector.broadcast %broadcast_in_dim3A_528 : vector<1x256xf32> to vector<256x256xf32>
    %le3A_533 = arith.cmpf ole, %sub3A_525, %le3A_532 : vector<256x256xf32>
    %jit3A_534 = arith.constant 8.192000e+03 : f32
    %broadcast_in_dim3A_535 = vector.broadcast %jit3A_534 : f32 to vector<256x256xf32>
    %select_n3A_536 = arith.select %le3A_533, %add3A_531, %broadcast_in_dim3A_535 : vector<256x256xi1>, vector<256x256xf32>
    %reduce_min3A_537 = arith.constant dense<0x7F800000> : vector<256xf32>
    %reduce_min3A_538 = vector.multi_reduction <minimumf>, %select_n3A_536, %reduce_min3A_537 [0] : vector<256x256xf32> to vector<256xf32>
    %broadcast_in_dim3A_539 = vector.shape_cast %reduce_min3A_538 : vector<256xf32> to vector<1x256xf32>
    %lt3A_540 = arith.cmpf olt, %broadcast_in_dim3A_528, %select_n3A_509 : vector<1x256xf32>
    %select_n3A_541 = arith.select %lt3A_540, %broadcast_in_dim3A_528, %select_n3A_509 : vector<1x256xi1>, vector<1x256xf32>
    %select_n3A_542 = arith.select %lt3A_540, %broadcast_in_dim3A_539, %select_n3A_510 : vector<1x256xi1>, vector<1x256xf32>
    %get3A_543 = arith.constant 4352 : index
    %get3A_544 = arith.constant 0 : index
    %get3A_545 = vector.load %arg2[%get3A_543, %get3A_544] : memref<8192x64xf32, #tpu.memory_space<vmem>>, vector<256x64xf32>
    %get3A_546 = arith.constant 4352 : index
    %get3A_547 = arith.constant 0 : index
    %get3A_548 = vector.load %arg3[%get3A_546, %get3A_547] : memref<8192x1xf32, #tpu.memory_space<vmem>>, vector<256x1xf32>
    %dot_general3A_549 = arith.constant dense<0.000000e+00> : vector<256x256xf32>
    %dot_general3A_550 = tpu.matmul %get3A_545, %div3A_4, %dot_general3A_549 {dimension_numbers = #tpu.dot_dimension_numbers<[1], [1], [0], [0], [0, 0, 1, 0], [], []>, transpose_lhs_hint = false} : vector<256x64xf32>, vector<256x64xf32>, vector<256x256xf32> -> vector<256x256xf32>
    %add3A_551 = vector.broadcast %transpose3A : vector<1x256xf32> to vector<256x256xf32>
    %add3A_552 = vector.broadcast %get3A_548 : vector<256x1xf32> to vector<256x256xf32>
    %add3A_553 = arith.addf %add3A_551, %add3A_552 : vector<256x256xf32>
    %mul3A_554 = arith.constant 2.000000e+00 : f32
    %mul3A_555 = vector.broadcast %mul3A_554 : f32 to vector<256x256xf32>
    %mul3A_556 = arith.mulf %mul3A_555, %dot_general3A_550 : vector<256x256xf32>
    %sub3A_557 = arith.subf %add3A_553, %mul3A_556 : vector<256x256xf32>
    %reduce_min3A_558 = arith.constant dense<0x7F800000> : vector<256xf32>
    %reduce_min3A_559 = vector.multi_reduction <minimumf>, %sub3A_557, %reduce_min3A_558 [0] : vector<256x256xf32> to vector<256xf32>
    %broadcast_in_dim3A_560 = vector.shape_cast %reduce_min3A_559 : vector<256xf32> to vector<1x256xf32>
    %add3A_561 = arith.constant 4.352000e+03 : f32
    %add3A_562 = vector.broadcast %add3A_561 : f32 to vector<256x256xf32>
    %add3A_563 = arith.addf %convert_element_type3A, %add3A_562 : vector<256x256xf32>
    %le3A_564 = vector.broadcast %broadcast_in_dim3A_560 : vector<1x256xf32> to vector<256x256xf32>
    %le3A_565 = arith.cmpf ole, %sub3A_557, %le3A_564 : vector<256x256xf32>
    %jit3A_566 = arith.constant 8.192000e+03 : f32
    %broadcast_in_dim3A_567 = vector.broadcast %jit3A_566 : f32 to vector<256x256xf32>
    %select_n3A_568 = arith.select %le3A_565, %add3A_563, %broadcast_in_dim3A_567 : vector<256x256xi1>, vector<256x256xf32>
    %reduce_min3A_569 = arith.constant dense<0x7F800000> : vector<256xf32>
    %reduce_min3A_570 = vector.multi_reduction <minimumf>, %select_n3A_568, %reduce_min3A_569 [0] : vector<256x256xf32> to vector<256xf32>
    %broadcast_in_dim3A_571 = vector.shape_cast %reduce_min3A_570 : vector<256xf32> to vector<1x256xf32>
    %lt3A_572 = arith.cmpf olt, %broadcast_in_dim3A_560, %select_n3A_541 : vector<1x256xf32>
    %select_n3A_573 = arith.select %lt3A_572, %broadcast_in_dim3A_560, %select_n3A_541 : vector<1x256xi1>, vector<1x256xf32>
    %select_n3A_574 = arith.select %lt3A_572, %broadcast_in_dim3A_571, %select_n3A_542 : vector<1x256xi1>, vector<1x256xf32>
    %get3A_575 = arith.constant 4608 : index
    %get3A_576 = arith.constant 0 : index
    %get3A_577 = vector.load %arg2[%get3A_575, %get3A_576] : memref<8192x64xf32, #tpu.memory_space<vmem>>, vector<256x64xf32>
    %get3A_578 = arith.constant 4608 : index
    %get3A_579 = arith.constant 0 : index
    %get3A_580 = vector.load %arg3[%get3A_578, %get3A_579] : memref<8192x1xf32, #tpu.memory_space<vmem>>, vector<256x1xf32>
    %dot_general3A_581 = arith.constant dense<0.000000e+00> : vector<256x256xf32>
    %dot_general3A_582 = tpu.matmul %get3A_577, %div3A_4, %dot_general3A_581 {dimension_numbers = #tpu.dot_dimension_numbers<[1], [1], [0], [0], [0, 0, 1, 0], [], []>, transpose_lhs_hint = false} : vector<256x64xf32>, vector<256x64xf32>, vector<256x256xf32> -> vector<256x256xf32>
    %add3A_583 = vector.broadcast %transpose3A : vector<1x256xf32> to vector<256x256xf32>
    %add3A_584 = vector.broadcast %get3A_580 : vector<256x1xf32> to vector<256x256xf32>
    %add3A_585 = arith.addf %add3A_583, %add3A_584 : vector<256x256xf32>
    %mul3A_586 = arith.constant 2.000000e+00 : f32
    %mul3A_587 = vector.broadcast %mul3A_586 : f32 to vector<256x256xf32>
    %mul3A_588 = arith.mulf %mul3A_587, %dot_general3A_582 : vector<256x256xf32>
    %sub3A_589 = arith.subf %add3A_585, %mul3A_588 : vector<256x256xf32>
    %reduce_min3A_590 = arith.constant dense<0x7F800000> : vector<256xf32>
    %reduce_min3A_591 = vector.multi_reduction <minimumf>, %sub3A_589, %reduce_min3A_590 [0] : vector<256x256xf32> to vector<256xf32>
    %broadcast_in_dim3A_592 = vector.shape_cast %reduce_min3A_591 : vector<256xf32> to vector<1x256xf32>
    %add3A_593 = arith.constant 4.608000e+03 : f32
    %add3A_594 = vector.broadcast %add3A_593 : f32 to vector<256x256xf32>
    %add3A_595 = arith.addf %convert_element_type3A, %add3A_594 : vector<256x256xf32>
    %le3A_596 = vector.broadcast %broadcast_in_dim3A_592 : vector<1x256xf32> to vector<256x256xf32>
    %le3A_597 = arith.cmpf ole, %sub3A_589, %le3A_596 : vector<256x256xf32>
    %jit3A_598 = arith.constant 8.192000e+03 : f32
    %broadcast_in_dim3A_599 = vector.broadcast %jit3A_598 : f32 to vector<256x256xf32>
    %select_n3A_600 = arith.select %le3A_597, %add3A_595, %broadcast_in_dim3A_599 : vector<256x256xi1>, vector<256x256xf32>
    %reduce_min3A_601 = arith.constant dense<0x7F800000> : vector<256xf32>
    %reduce_min3A_602 = vector.multi_reduction <minimumf>, %select_n3A_600, %reduce_min3A_601 [0] : vector<256x256xf32> to vector<256xf32>
    %broadcast_in_dim3A_603 = vector.shape_cast %reduce_min3A_602 : vector<256xf32> to vector<1x256xf32>
    %lt3A_604 = arith.cmpf olt, %broadcast_in_dim3A_592, %select_n3A_573 : vector<1x256xf32>
    %select_n3A_605 = arith.select %lt3A_604, %broadcast_in_dim3A_592, %select_n3A_573 : vector<1x256xi1>, vector<1x256xf32>
    %select_n3A_606 = arith.select %lt3A_604, %broadcast_in_dim3A_603, %select_n3A_574 : vector<1x256xi1>, vector<1x256xf32>
    %get3A_607 = arith.constant 4864 : index
    %get3A_608 = arith.constant 0 : index
    %get3A_609 = vector.load %arg2[%get3A_607, %get3A_608] : memref<8192x64xf32, #tpu.memory_space<vmem>>, vector<256x64xf32>
    %get3A_610 = arith.constant 4864 : index
    %get3A_611 = arith.constant 0 : index
    %get3A_612 = vector.load %arg3[%get3A_610, %get3A_611] : memref<8192x1xf32, #tpu.memory_space<vmem>>, vector<256x1xf32>
    %dot_general3A_613 = arith.constant dense<0.000000e+00> : vector<256x256xf32>
    %dot_general3A_614 = tpu.matmul %get3A_609, %div3A_4, %dot_general3A_613 {dimension_numbers = #tpu.dot_dimension_numbers<[1], [1], [0], [0], [0, 0, 1, 0], [], []>, transpose_lhs_hint = false} : vector<256x64xf32>, vector<256x64xf32>, vector<256x256xf32> -> vector<256x256xf32>
    %add3A_615 = vector.broadcast %transpose3A : vector<1x256xf32> to vector<256x256xf32>
    %add3A_616 = vector.broadcast %get3A_612 : vector<256x1xf32> to vector<256x256xf32>
    %add3A_617 = arith.addf %add3A_615, %add3A_616 : vector<256x256xf32>
    %mul3A_618 = arith.constant 2.000000e+00 : f32
    %mul3A_619 = vector.broadcast %mul3A_618 : f32 to vector<256x256xf32>
    %mul3A_620 = arith.mulf %mul3A_619, %dot_general3A_614 : vector<256x256xf32>
    %sub3A_621 = arith.subf %add3A_617, %mul3A_620 : vector<256x256xf32>
    %reduce_min3A_622 = arith.constant dense<0x7F800000> : vector<256xf32>
    %reduce_min3A_623 = vector.multi_reduction <minimumf>, %sub3A_621, %reduce_min3A_622 [0] : vector<256x256xf32> to vector<256xf32>
    %broadcast_in_dim3A_624 = vector.shape_cast %reduce_min3A_623 : vector<256xf32> to vector<1x256xf32>
    %add3A_625 = arith.constant 4.864000e+03 : f32
    %add3A_626 = vector.broadcast %add3A_625 : f32 to vector<256x256xf32>
    %add3A_627 = arith.addf %convert_element_type3A, %add3A_626 : vector<256x256xf32>
    %le3A_628 = vector.broadcast %broadcast_in_dim3A_624 : vector<1x256xf32> to vector<256x256xf32>
    %le3A_629 = arith.cmpf ole, %sub3A_621, %le3A_628 : vector<256x256xf32>
    %jit3A_630 = arith.constant 8.192000e+03 : f32
    %broadcast_in_dim3A_631 = vector.broadcast %jit3A_630 : f32 to vector<256x256xf32>
    %select_n3A_632 = arith.select %le3A_629, %add3A_627, %broadcast_in_dim3A_631 : vector<256x256xi1>, vector<256x256xf32>
    %reduce_min3A_633 = arith.constant dense<0x7F800000> : vector<256xf32>
    %reduce_min3A_634 = vector.multi_reduction <minimumf>, %select_n3A_632, %reduce_min3A_633 [0] : vector<256x256xf32> to vector<256xf32>
    %broadcast_in_dim3A_635 = vector.shape_cast %reduce_min3A_634 : vector<256xf32> to vector<1x256xf32>
    %lt3A_636 = arith.cmpf olt, %broadcast_in_dim3A_624, %select_n3A_605 : vector<1x256xf32>
    %select_n3A_637 = arith.select %lt3A_636, %broadcast_in_dim3A_624, %select_n3A_605 : vector<1x256xi1>, vector<1x256xf32>
    %select_n3A_638 = arith.select %lt3A_636, %broadcast_in_dim3A_635, %select_n3A_606 : vector<1x256xi1>, vector<1x256xf32>
    %get3A_639 = arith.constant 5120 : index
    %get3A_640 = arith.constant 0 : index
    %get3A_641 = vector.load %arg2[%get3A_639, %get3A_640] : memref<8192x64xf32, #tpu.memory_space<vmem>>, vector<256x64xf32>
    %get3A_642 = arith.constant 5120 : index
    %get3A_643 = arith.constant 0 : index
    %get3A_644 = vector.load %arg3[%get3A_642, %get3A_643] : memref<8192x1xf32, #tpu.memory_space<vmem>>, vector<256x1xf32>
    %dot_general3A_645 = arith.constant dense<0.000000e+00> : vector<256x256xf32>
    %dot_general3A_646 = tpu.matmul %get3A_641, %div3A_4, %dot_general3A_645 {dimension_numbers = #tpu.dot_dimension_numbers<[1], [1], [0], [0], [0, 0, 1, 0], [], []>, transpose_lhs_hint = false} : vector<256x64xf32>, vector<256x64xf32>, vector<256x256xf32> -> vector<256x256xf32>
    %add3A_647 = vector.broadcast %transpose3A : vector<1x256xf32> to vector<256x256xf32>
    %add3A_648 = vector.broadcast %get3A_644 : vector<256x1xf32> to vector<256x256xf32>
    %add3A_649 = arith.addf %add3A_647, %add3A_648 : vector<256x256xf32>
    %mul3A_650 = arith.constant 2.000000e+00 : f32
    %mul3A_651 = vector.broadcast %mul3A_650 : f32 to vector<256x256xf32>
    %mul3A_652 = arith.mulf %mul3A_651, %dot_general3A_646 : vector<256x256xf32>
    %sub3A_653 = arith.subf %add3A_649, %mul3A_652 : vector<256x256xf32>
    %reduce_min3A_654 = arith.constant dense<0x7F800000> : vector<256xf32>
    %reduce_min3A_655 = vector.multi_reduction <minimumf>, %sub3A_653, %reduce_min3A_654 [0] : vector<256x256xf32> to vector<256xf32>
    %broadcast_in_dim3A_656 = vector.shape_cast %reduce_min3A_655 : vector<256xf32> to vector<1x256xf32>
    %add3A_657 = arith.constant 5.120000e+03 : f32
    %add3A_658 = vector.broadcast %add3A_657 : f32 to vector<256x256xf32>
    %add3A_659 = arith.addf %convert_element_type3A, %add3A_658 : vector<256x256xf32>
    %le3A_660 = vector.broadcast %broadcast_in_dim3A_656 : vector<1x256xf32> to vector<256x256xf32>
    %le3A_661 = arith.cmpf ole, %sub3A_653, %le3A_660 : vector<256x256xf32>
    %jit3A_662 = arith.constant 8.192000e+03 : f32
    %broadcast_in_dim3A_663 = vector.broadcast %jit3A_662 : f32 to vector<256x256xf32>
    %select_n3A_664 = arith.select %le3A_661, %add3A_659, %broadcast_in_dim3A_663 : vector<256x256xi1>, vector<256x256xf32>
    %reduce_min3A_665 = arith.constant dense<0x7F800000> : vector<256xf32>
    %reduce_min3A_666 = vector.multi_reduction <minimumf>, %select_n3A_664, %reduce_min3A_665 [0] : vector<256x256xf32> to vector<256xf32>
    %broadcast_in_dim3A_667 = vector.shape_cast %reduce_min3A_666 : vector<256xf32> to vector<1x256xf32>
    %lt3A_668 = arith.cmpf olt, %broadcast_in_dim3A_656, %select_n3A_637 : vector<1x256xf32>
    %select_n3A_669 = arith.select %lt3A_668, %broadcast_in_dim3A_656, %select_n3A_637 : vector<1x256xi1>, vector<1x256xf32>
    %select_n3A_670 = arith.select %lt3A_668, %broadcast_in_dim3A_667, %select_n3A_638 : vector<1x256xi1>, vector<1x256xf32>
    %get3A_671 = arith.constant 5376 : index
    %get3A_672 = arith.constant 0 : index
    %get3A_673 = vector.load %arg2[%get3A_671, %get3A_672] : memref<8192x64xf32, #tpu.memory_space<vmem>>, vector<256x64xf32>
    %get3A_674 = arith.constant 5376 : index
    %get3A_675 = arith.constant 0 : index
    %get3A_676 = vector.load %arg3[%get3A_674, %get3A_675] : memref<8192x1xf32, #tpu.memory_space<vmem>>, vector<256x1xf32>
    %dot_general3A_677 = arith.constant dense<0.000000e+00> : vector<256x256xf32>
    %dot_general3A_678 = tpu.matmul %get3A_673, %div3A_4, %dot_general3A_677 {dimension_numbers = #tpu.dot_dimension_numbers<[1], [1], [0], [0], [0, 0, 1, 0], [], []>, transpose_lhs_hint = false} : vector<256x64xf32>, vector<256x64xf32>, vector<256x256xf32> -> vector<256x256xf32>
    %add3A_679 = vector.broadcast %transpose3A : vector<1x256xf32> to vector<256x256xf32>
    %add3A_680 = vector.broadcast %get3A_676 : vector<256x1xf32> to vector<256x256xf32>
    %add3A_681 = arith.addf %add3A_679, %add3A_680 : vector<256x256xf32>
    %mul3A_682 = arith.constant 2.000000e+00 : f32
    %mul3A_683 = vector.broadcast %mul3A_682 : f32 to vector<256x256xf32>
    %mul3A_684 = arith.mulf %mul3A_683, %dot_general3A_678 : vector<256x256xf32>
    %sub3A_685 = arith.subf %add3A_681, %mul3A_684 : vector<256x256xf32>
    %reduce_min3A_686 = arith.constant dense<0x7F800000> : vector<256xf32>
    %reduce_min3A_687 = vector.multi_reduction <minimumf>, %sub3A_685, %reduce_min3A_686 [0] : vector<256x256xf32> to vector<256xf32>
    %broadcast_in_dim3A_688 = vector.shape_cast %reduce_min3A_687 : vector<256xf32> to vector<1x256xf32>
    %add3A_689 = arith.constant 5.376000e+03 : f32
    %add3A_690 = vector.broadcast %add3A_689 : f32 to vector<256x256xf32>
    %add3A_691 = arith.addf %convert_element_type3A, %add3A_690 : vector<256x256xf32>
    %le3A_692 = vector.broadcast %broadcast_in_dim3A_688 : vector<1x256xf32> to vector<256x256xf32>
    %le3A_693 = arith.cmpf ole, %sub3A_685, %le3A_692 : vector<256x256xf32>
    %jit3A_694 = arith.constant 8.192000e+03 : f32
    %broadcast_in_dim3A_695 = vector.broadcast %jit3A_694 : f32 to vector<256x256xf32>
    %select_n3A_696 = arith.select %le3A_693, %add3A_691, %broadcast_in_dim3A_695 : vector<256x256xi1>, vector<256x256xf32>
    %reduce_min3A_697 = arith.constant dense<0x7F800000> : vector<256xf32>
    %reduce_min3A_698 = vector.multi_reduction <minimumf>, %select_n3A_696, %reduce_min3A_697 [0] : vector<256x256xf32> to vector<256xf32>
    %broadcast_in_dim3A_699 = vector.shape_cast %reduce_min3A_698 : vector<256xf32> to vector<1x256xf32>
    %lt3A_700 = arith.cmpf olt, %broadcast_in_dim3A_688, %select_n3A_669 : vector<1x256xf32>
    %select_n3A_701 = arith.select %lt3A_700, %broadcast_in_dim3A_688, %select_n3A_669 : vector<1x256xi1>, vector<1x256xf32>
    %select_n3A_702 = arith.select %lt3A_700, %broadcast_in_dim3A_699, %select_n3A_670 : vector<1x256xi1>, vector<1x256xf32>
    %get3A_703 = arith.constant 5632 : index
    %get3A_704 = arith.constant 0 : index
    %get3A_705 = vector.load %arg2[%get3A_703, %get3A_704] : memref<8192x64xf32, #tpu.memory_space<vmem>>, vector<256x64xf32>
    %get3A_706 = arith.constant 5632 : index
    %get3A_707 = arith.constant 0 : index
    %get3A_708 = vector.load %arg3[%get3A_706, %get3A_707] : memref<8192x1xf32, #tpu.memory_space<vmem>>, vector<256x1xf32>
    %dot_general3A_709 = arith.constant dense<0.000000e+00> : vector<256x256xf32>
    %dot_general3A_710 = tpu.matmul %get3A_705, %div3A_4, %dot_general3A_709 {dimension_numbers = #tpu.dot_dimension_numbers<[1], [1], [0], [0], [0, 0, 1, 0], [], []>, transpose_lhs_hint = false} : vector<256x64xf32>, vector<256x64xf32>, vector<256x256xf32> -> vector<256x256xf32>
    %add3A_711 = vector.broadcast %transpose3A : vector<1x256xf32> to vector<256x256xf32>
    %add3A_712 = vector.broadcast %get3A_708 : vector<256x1xf32> to vector<256x256xf32>
    %add3A_713 = arith.addf %add3A_711, %add3A_712 : vector<256x256xf32>
    %mul3A_714 = arith.constant 2.000000e+00 : f32
    %mul3A_715 = vector.broadcast %mul3A_714 : f32 to vector<256x256xf32>
    %mul3A_716 = arith.mulf %mul3A_715, %dot_general3A_710 : vector<256x256xf32>
    %sub3A_717 = arith.subf %add3A_713, %mul3A_716 : vector<256x256xf32>
    %reduce_min3A_718 = arith.constant dense<0x7F800000> : vector<256xf32>
    %reduce_min3A_719 = vector.multi_reduction <minimumf>, %sub3A_717, %reduce_min3A_718 [0] : vector<256x256xf32> to vector<256xf32>
    %broadcast_in_dim3A_720 = vector.shape_cast %reduce_min3A_719 : vector<256xf32> to vector<1x256xf32>
    %add3A_721 = arith.constant 5.632000e+03 : f32
    %add3A_722 = vector.broadcast %add3A_721 : f32 to vector<256x256xf32>
    %add3A_723 = arith.addf %convert_element_type3A, %add3A_722 : vector<256x256xf32>
    %le3A_724 = vector.broadcast %broadcast_in_dim3A_720 : vector<1x256xf32> to vector<256x256xf32>
    %le3A_725 = arith.cmpf ole, %sub3A_717, %le3A_724 : vector<256x256xf32>
    %jit3A_726 = arith.constant 8.192000e+03 : f32
    %broadcast_in_dim3A_727 = vector.broadcast %jit3A_726 : f32 to vector<256x256xf32>
    %select_n3A_728 = arith.select %le3A_725, %add3A_723, %broadcast_in_dim3A_727 : vector<256x256xi1>, vector<256x256xf32>
    %reduce_min3A_729 = arith.constant dense<0x7F800000> : vector<256xf32>
    %reduce_min3A_730 = vector.multi_reduction <minimumf>, %select_n3A_728, %reduce_min3A_729 [0] : vector<256x256xf32> to vector<256xf32>
    %broadcast_in_dim3A_731 = vector.shape_cast %reduce_min3A_730 : vector<256xf32> to vector<1x256xf32>
    %lt3A_732 = arith.cmpf olt, %broadcast_in_dim3A_720, %select_n3A_701 : vector<1x256xf32>
    %select_n3A_733 = arith.select %lt3A_732, %broadcast_in_dim3A_720, %select_n3A_701 : vector<1x256xi1>, vector<1x256xf32>
    %select_n3A_734 = arith.select %lt3A_732, %broadcast_in_dim3A_731, %select_n3A_702 : vector<1x256xi1>, vector<1x256xf32>
    %get3A_735 = arith.constant 5888 : index
    %get3A_736 = arith.constant 0 : index
    %get3A_737 = vector.load %arg2[%get3A_735, %get3A_736] : memref<8192x64xf32, #tpu.memory_space<vmem>>, vector<256x64xf32>
    %get3A_738 = arith.constant 5888 : index
    %get3A_739 = arith.constant 0 : index
    %get3A_740 = vector.load %arg3[%get3A_738, %get3A_739] : memref<8192x1xf32, #tpu.memory_space<vmem>>, vector<256x1xf32>
    %dot_general3A_741 = arith.constant dense<0.000000e+00> : vector<256x256xf32>
    %dot_general3A_742 = tpu.matmul %get3A_737, %div3A_4, %dot_general3A_741 {dimension_numbers = #tpu.dot_dimension_numbers<[1], [1], [0], [0], [0, 0, 1, 0], [], []>, transpose_lhs_hint = false} : vector<256x64xf32>, vector<256x64xf32>, vector<256x256xf32> -> vector<256x256xf32>
    %add3A_743 = vector.broadcast %transpose3A : vector<1x256xf32> to vector<256x256xf32>
    %add3A_744 = vector.broadcast %get3A_740 : vector<256x1xf32> to vector<256x256xf32>
    %add3A_745 = arith.addf %add3A_743, %add3A_744 : vector<256x256xf32>
    %mul3A_746 = arith.constant 2.000000e+00 : f32
    %mul3A_747 = vector.broadcast %mul3A_746 : f32 to vector<256x256xf32>
    %mul3A_748 = arith.mulf %mul3A_747, %dot_general3A_742 : vector<256x256xf32>
    %sub3A_749 = arith.subf %add3A_745, %mul3A_748 : vector<256x256xf32>
    %reduce_min3A_750 = arith.constant dense<0x7F800000> : vector<256xf32>
    %reduce_min3A_751 = vector.multi_reduction <minimumf>, %sub3A_749, %reduce_min3A_750 [0] : vector<256x256xf32> to vector<256xf32>
    %broadcast_in_dim3A_752 = vector.shape_cast %reduce_min3A_751 : vector<256xf32> to vector<1x256xf32>
    %add3A_753 = arith.constant 5.888000e+03 : f32
    %add3A_754 = vector.broadcast %add3A_753 : f32 to vector<256x256xf32>
    %add3A_755 = arith.addf %convert_element_type3A, %add3A_754 : vector<256x256xf32>
    %le3A_756 = vector.broadcast %broadcast_in_dim3A_752 : vector<1x256xf32> to vector<256x256xf32>
    %le3A_757 = arith.cmpf ole, %sub3A_749, %le3A_756 : vector<256x256xf32>
    %jit3A_758 = arith.constant 8.192000e+03 : f32
    %broadcast_in_dim3A_759 = vector.broadcast %jit3A_758 : f32 to vector<256x256xf32>
    %select_n3A_760 = arith.select %le3A_757, %add3A_755, %broadcast_in_dim3A_759 : vector<256x256xi1>, vector<256x256xf32>
    %reduce_min3A_761 = arith.constant dense<0x7F800000> : vector<256xf32>
    %reduce_min3A_762 = vector.multi_reduction <minimumf>, %select_n3A_760, %reduce_min3A_761 [0] : vector<256x256xf32> to vector<256xf32>
    %broadcast_in_dim3A_763 = vector.shape_cast %reduce_min3A_762 : vector<256xf32> to vector<1x256xf32>
    %lt3A_764 = arith.cmpf olt, %broadcast_in_dim3A_752, %select_n3A_733 : vector<1x256xf32>
    %select_n3A_765 = arith.select %lt3A_764, %broadcast_in_dim3A_752, %select_n3A_733 : vector<1x256xi1>, vector<1x256xf32>
    %select_n3A_766 = arith.select %lt3A_764, %broadcast_in_dim3A_763, %select_n3A_734 : vector<1x256xi1>, vector<1x256xf32>
    %get3A_767 = arith.constant 6144 : index
    %get3A_768 = arith.constant 0 : index
    %get3A_769 = vector.load %arg2[%get3A_767, %get3A_768] : memref<8192x64xf32, #tpu.memory_space<vmem>>, vector<256x64xf32>
    %get3A_770 = arith.constant 6144 : index
    %get3A_771 = arith.constant 0 : index
    %get3A_772 = vector.load %arg3[%get3A_770, %get3A_771] : memref<8192x1xf32, #tpu.memory_space<vmem>>, vector<256x1xf32>
    %dot_general3A_773 = arith.constant dense<0.000000e+00> : vector<256x256xf32>
    %dot_general3A_774 = tpu.matmul %get3A_769, %div3A_4, %dot_general3A_773 {dimension_numbers = #tpu.dot_dimension_numbers<[1], [1], [0], [0], [0, 0, 1, 0], [], []>, transpose_lhs_hint = false} : vector<256x64xf32>, vector<256x64xf32>, vector<256x256xf32> -> vector<256x256xf32>
    %add3A_775 = vector.broadcast %transpose3A : vector<1x256xf32> to vector<256x256xf32>
    %add3A_776 = vector.broadcast %get3A_772 : vector<256x1xf32> to vector<256x256xf32>
    %add3A_777 = arith.addf %add3A_775, %add3A_776 : vector<256x256xf32>
    %mul3A_778 = arith.constant 2.000000e+00 : f32
    %mul3A_779 = vector.broadcast %mul3A_778 : f32 to vector<256x256xf32>
    %mul3A_780 = arith.mulf %mul3A_779, %dot_general3A_774 : vector<256x256xf32>
    %sub3A_781 = arith.subf %add3A_777, %mul3A_780 : vector<256x256xf32>
    %reduce_min3A_782 = arith.constant dense<0x7F800000> : vector<256xf32>
    %reduce_min3A_783 = vector.multi_reduction <minimumf>, %sub3A_781, %reduce_min3A_782 [0] : vector<256x256xf32> to vector<256xf32>
    %broadcast_in_dim3A_784 = vector.shape_cast %reduce_min3A_783 : vector<256xf32> to vector<1x256xf32>
    %add3A_785 = arith.constant 6.144000e+03 : f32
    %add3A_786 = vector.broadcast %add3A_785 : f32 to vector<256x256xf32>
    %add3A_787 = arith.addf %convert_element_type3A, %add3A_786 : vector<256x256xf32>
    %le3A_788 = vector.broadcast %broadcast_in_dim3A_784 : vector<1x256xf32> to vector<256x256xf32>
    %le3A_789 = arith.cmpf ole, %sub3A_781, %le3A_788 : vector<256x256xf32>
    %jit3A_790 = arith.constant 8.192000e+03 : f32
    %broadcast_in_dim3A_791 = vector.broadcast %jit3A_790 : f32 to vector<256x256xf32>
    %select_n3A_792 = arith.select %le3A_789, %add3A_787, %broadcast_in_dim3A_791 : vector<256x256xi1>, vector<256x256xf32>
    %reduce_min3A_793 = arith.constant dense<0x7F800000> : vector<256xf32>
    %reduce_min3A_794 = vector.multi_reduction <minimumf>, %select_n3A_792, %reduce_min3A_793 [0] : vector<256x256xf32> to vector<256xf32>
    %broadcast_in_dim3A_795 = vector.shape_cast %reduce_min3A_794 : vector<256xf32> to vector<1x256xf32>
    %lt3A_796 = arith.cmpf olt, %broadcast_in_dim3A_784, %select_n3A_765 : vector<1x256xf32>
    %select_n3A_797 = arith.select %lt3A_796, %broadcast_in_dim3A_784, %select_n3A_765 : vector<1x256xi1>, vector<1x256xf32>
    %select_n3A_798 = arith.select %lt3A_796, %broadcast_in_dim3A_795, %select_n3A_766 : vector<1x256xi1>, vector<1x256xf32>
    %get3A_799 = arith.constant 6400 : index
    %get3A_800 = arith.constant 0 : index
    %get3A_801 = vector.load %arg2[%get3A_799, %get3A_800] : memref<8192x64xf32, #tpu.memory_space<vmem>>, vector<256x64xf32>
    %get3A_802 = arith.constant 6400 : index
    %get3A_803 = arith.constant 0 : index
    %get3A_804 = vector.load %arg3[%get3A_802, %get3A_803] : memref<8192x1xf32, #tpu.memory_space<vmem>>, vector<256x1xf32>
    %dot_general3A_805 = arith.constant dense<0.000000e+00> : vector<256x256xf32>
    %dot_general3A_806 = tpu.matmul %get3A_801, %div3A_4, %dot_general3A_805 {dimension_numbers = #tpu.dot_dimension_numbers<[1], [1], [0], [0], [0, 0, 1, 0], [], []>, transpose_lhs_hint = false} : vector<256x64xf32>, vector<256x64xf32>, vector<256x256xf32> -> vector<256x256xf32>
    %add3A_807 = vector.broadcast %transpose3A : vector<1x256xf32> to vector<256x256xf32>
    %add3A_808 = vector.broadcast %get3A_804 : vector<256x1xf32> to vector<256x256xf32>
    %add3A_809 = arith.addf %add3A_807, %add3A_808 : vector<256x256xf32>
    %mul3A_810 = arith.constant 2.000000e+00 : f32
    %mul3A_811 = vector.broadcast %mul3A_810 : f32 to vector<256x256xf32>
    %mul3A_812 = arith.mulf %mul3A_811, %dot_general3A_806 : vector<256x256xf32>
    %sub3A_813 = arith.subf %add3A_809, %mul3A_812 : vector<256x256xf32>
    %reduce_min3A_814 = arith.constant dense<0x7F800000> : vector<256xf32>
    %reduce_min3A_815 = vector.multi_reduction <minimumf>, %sub3A_813, %reduce_min3A_814 [0] : vector<256x256xf32> to vector<256xf32>
    %broadcast_in_dim3A_816 = vector.shape_cast %reduce_min3A_815 : vector<256xf32> to vector<1x256xf32>
    %add3A_817 = arith.constant 6.400000e+03 : f32
    %add3A_818 = vector.broadcast %add3A_817 : f32 to vector<256x256xf32>
    %add3A_819 = arith.addf %convert_element_type3A, %add3A_818 : vector<256x256xf32>
    %le3A_820 = vector.broadcast %broadcast_in_dim3A_816 : vector<1x256xf32> to vector<256x256xf32>
    %le3A_821 = arith.cmpf ole, %sub3A_813, %le3A_820 : vector<256x256xf32>
    %jit3A_822 = arith.constant 8.192000e+03 : f32
    %broadcast_in_dim3A_823 = vector.broadcast %jit3A_822 : f32 to vector<256x256xf32>
    %select_n3A_824 = arith.select %le3A_821, %add3A_819, %broadcast_in_dim3A_823 : vector<256x256xi1>, vector<256x256xf32>
    %reduce_min3A_825 = arith.constant dense<0x7F800000> : vector<256xf32>
    %reduce_min3A_826 = vector.multi_reduction <minimumf>, %select_n3A_824, %reduce_min3A_825 [0] : vector<256x256xf32> to vector<256xf32>
    %broadcast_in_dim3A_827 = vector.shape_cast %reduce_min3A_826 : vector<256xf32> to vector<1x256xf32>
    %lt3A_828 = arith.cmpf olt, %broadcast_in_dim3A_816, %select_n3A_797 : vector<1x256xf32>
    %select_n3A_829 = arith.select %lt3A_828, %broadcast_in_dim3A_816, %select_n3A_797 : vector<1x256xi1>, vector<1x256xf32>
    %select_n3A_830 = arith.select %lt3A_828, %broadcast_in_dim3A_827, %select_n3A_798 : vector<1x256xi1>, vector<1x256xf32>
    %get3A_831 = arith.constant 6656 : index
    %get3A_832 = arith.constant 0 : index
    %get3A_833 = vector.load %arg2[%get3A_831, %get3A_832] : memref<8192x64xf32, #tpu.memory_space<vmem>>, vector<256x64xf32>
    %get3A_834 = arith.constant 6656 : index
    %get3A_835 = arith.constant 0 : index
    %get3A_836 = vector.load %arg3[%get3A_834, %get3A_835] : memref<8192x1xf32, #tpu.memory_space<vmem>>, vector<256x1xf32>
    %dot_general3A_837 = arith.constant dense<0.000000e+00> : vector<256x256xf32>
    %dot_general3A_838 = tpu.matmul %get3A_833, %div3A_4, %dot_general3A_837 {dimension_numbers = #tpu.dot_dimension_numbers<[1], [1], [0], [0], [0, 0, 1, 0], [], []>, transpose_lhs_hint = false} : vector<256x64xf32>, vector<256x64xf32>, vector<256x256xf32> -> vector<256x256xf32>
    %add3A_839 = vector.broadcast %transpose3A : vector<1x256xf32> to vector<256x256xf32>
    %add3A_840 = vector.broadcast %get3A_836 : vector<256x1xf32> to vector<256x256xf32>
    %add3A_841 = arith.addf %add3A_839, %add3A_840 : vector<256x256xf32>
    %mul3A_842 = arith.constant 2.000000e+00 : f32
    %mul3A_843 = vector.broadcast %mul3A_842 : f32 to vector<256x256xf32>
    %mul3A_844 = arith.mulf %mul3A_843, %dot_general3A_838 : vector<256x256xf32>
    %sub3A_845 = arith.subf %add3A_841, %mul3A_844 : vector<256x256xf32>
    %reduce_min3A_846 = arith.constant dense<0x7F800000> : vector<256xf32>
    %reduce_min3A_847 = vector.multi_reduction <minimumf>, %sub3A_845, %reduce_min3A_846 [0] : vector<256x256xf32> to vector<256xf32>
    %broadcast_in_dim3A_848 = vector.shape_cast %reduce_min3A_847 : vector<256xf32> to vector<1x256xf32>
    %add3A_849 = arith.constant 6.656000e+03 : f32
    %add3A_850 = vector.broadcast %add3A_849 : f32 to vector<256x256xf32>
    %add3A_851 = arith.addf %convert_element_type3A, %add3A_850 : vector<256x256xf32>
    %le3A_852 = vector.broadcast %broadcast_in_dim3A_848 : vector<1x256xf32> to vector<256x256xf32>
    %le3A_853 = arith.cmpf ole, %sub3A_845, %le3A_852 : vector<256x256xf32>
    %jit3A_854 = arith.constant 8.192000e+03 : f32
    %broadcast_in_dim3A_855 = vector.broadcast %jit3A_854 : f32 to vector<256x256xf32>
    %select_n3A_856 = arith.select %le3A_853, %add3A_851, %broadcast_in_dim3A_855 : vector<256x256xi1>, vector<256x256xf32>
    %reduce_min3A_857 = arith.constant dense<0x7F800000> : vector<256xf32>
    %reduce_min3A_858 = vector.multi_reduction <minimumf>, %select_n3A_856, %reduce_min3A_857 [0] : vector<256x256xf32> to vector<256xf32>
    %broadcast_in_dim3A_859 = vector.shape_cast %reduce_min3A_858 : vector<256xf32> to vector<1x256xf32>
    %lt3A_860 = arith.cmpf olt, %broadcast_in_dim3A_848, %select_n3A_829 : vector<1x256xf32>
    %select_n3A_861 = arith.select %lt3A_860, %broadcast_in_dim3A_848, %select_n3A_829 : vector<1x256xi1>, vector<1x256xf32>
    %select_n3A_862 = arith.select %lt3A_860, %broadcast_in_dim3A_859, %select_n3A_830 : vector<1x256xi1>, vector<1x256xf32>
    %get3A_863 = arith.constant 6912 : index
    %get3A_864 = arith.constant 0 : index
    %get3A_865 = vector.load %arg2[%get3A_863, %get3A_864] : memref<8192x64xf32, #tpu.memory_space<vmem>>, vector<256x64xf32>
    %get3A_866 = arith.constant 6912 : index
    %get3A_867 = arith.constant 0 : index
    %get3A_868 = vector.load %arg3[%get3A_866, %get3A_867] : memref<8192x1xf32, #tpu.memory_space<vmem>>, vector<256x1xf32>
    %dot_general3A_869 = arith.constant dense<0.000000e+00> : vector<256x256xf32>
    %dot_general3A_870 = tpu.matmul %get3A_865, %div3A_4, %dot_general3A_869 {dimension_numbers = #tpu.dot_dimension_numbers<[1], [1], [0], [0], [0, 0, 1, 0], [], []>, transpose_lhs_hint = false} : vector<256x64xf32>, vector<256x64xf32>, vector<256x256xf32> -> vector<256x256xf32>
    %add3A_871 = vector.broadcast %transpose3A : vector<1x256xf32> to vector<256x256xf32>
    %add3A_872 = vector.broadcast %get3A_868 : vector<256x1xf32> to vector<256x256xf32>
    %add3A_873 = arith.addf %add3A_871, %add3A_872 : vector<256x256xf32>
    %mul3A_874 = arith.constant 2.000000e+00 : f32
    %mul3A_875 = vector.broadcast %mul3A_874 : f32 to vector<256x256xf32>
    %mul3A_876 = arith.mulf %mul3A_875, %dot_general3A_870 : vector<256x256xf32>
    %sub3A_877 = arith.subf %add3A_873, %mul3A_876 : vector<256x256xf32>
    %reduce_min3A_878 = arith.constant dense<0x7F800000> : vector<256xf32>
    %reduce_min3A_879 = vector.multi_reduction <minimumf>, %sub3A_877, %reduce_min3A_878 [0] : vector<256x256xf32> to vector<256xf32>
    %broadcast_in_dim3A_880 = vector.shape_cast %reduce_min3A_879 : vector<256xf32> to vector<1x256xf32>
    %add3A_881 = arith.constant 6.912000e+03 : f32
    %add3A_882 = vector.broadcast %add3A_881 : f32 to vector<256x256xf32>
    %add3A_883 = arith.addf %convert_element_type3A, %add3A_882 : vector<256x256xf32>
    %le3A_884 = vector.broadcast %broadcast_in_dim3A_880 : vector<1x256xf32> to vector<256x256xf32>
    %le3A_885 = arith.cmpf ole, %sub3A_877, %le3A_884 : vector<256x256xf32>
    %jit3A_886 = arith.constant 8.192000e+03 : f32
    %broadcast_in_dim3A_887 = vector.broadcast %jit3A_886 : f32 to vector<256x256xf32>
    %select_n3A_888 = arith.select %le3A_885, %add3A_883, %broadcast_in_dim3A_887 : vector<256x256xi1>, vector<256x256xf32>
    %reduce_min3A_889 = arith.constant dense<0x7F800000> : vector<256xf32>
    %reduce_min3A_890 = vector.multi_reduction <minimumf>, %select_n3A_888, %reduce_min3A_889 [0] : vector<256x256xf32> to vector<256xf32>
    %broadcast_in_dim3A_891 = vector.shape_cast %reduce_min3A_890 : vector<256xf32> to vector<1x256xf32>
    %lt3A_892 = arith.cmpf olt, %broadcast_in_dim3A_880, %select_n3A_861 : vector<1x256xf32>
    %select_n3A_893 = arith.select %lt3A_892, %broadcast_in_dim3A_880, %select_n3A_861 : vector<1x256xi1>, vector<1x256xf32>
    %select_n3A_894 = arith.select %lt3A_892, %broadcast_in_dim3A_891, %select_n3A_862 : vector<1x256xi1>, vector<1x256xf32>
    %get3A_895 = arith.constant 7168 : index
    %get3A_896 = arith.constant 0 : index
    %get3A_897 = vector.load %arg2[%get3A_895, %get3A_896] : memref<8192x64xf32, #tpu.memory_space<vmem>>, vector<256x64xf32>
    %get3A_898 = arith.constant 7168 : index
    %get3A_899 = arith.constant 0 : index
    %get3A_900 = vector.load %arg3[%get3A_898, %get3A_899] : memref<8192x1xf32, #tpu.memory_space<vmem>>, vector<256x1xf32>
    %dot_general3A_901 = arith.constant dense<0.000000e+00> : vector<256x256xf32>
    %dot_general3A_902 = tpu.matmul %get3A_897, %div3A_4, %dot_general3A_901 {dimension_numbers = #tpu.dot_dimension_numbers<[1], [1], [0], [0], [0, 0, 1, 0], [], []>, transpose_lhs_hint = false} : vector<256x64xf32>, vector<256x64xf32>, vector<256x256xf32> -> vector<256x256xf32>
    %add3A_903 = vector.broadcast %transpose3A : vector<1x256xf32> to vector<256x256xf32>
    %add3A_904 = vector.broadcast %get3A_900 : vector<256x1xf32> to vector<256x256xf32>
    %add3A_905 = arith.addf %add3A_903, %add3A_904 : vector<256x256xf32>
    %mul3A_906 = arith.constant 2.000000e+00 : f32
    %mul3A_907 = vector.broadcast %mul3A_906 : f32 to vector<256x256xf32>
    %mul3A_908 = arith.mulf %mul3A_907, %dot_general3A_902 : vector<256x256xf32>
    %sub3A_909 = arith.subf %add3A_905, %mul3A_908 : vector<256x256xf32>
    %reduce_min3A_910 = arith.constant dense<0x7F800000> : vector<256xf32>
    %reduce_min3A_911 = vector.multi_reduction <minimumf>, %sub3A_909, %reduce_min3A_910 [0] : vector<256x256xf32> to vector<256xf32>
    %broadcast_in_dim3A_912 = vector.shape_cast %reduce_min3A_911 : vector<256xf32> to vector<1x256xf32>
    %add3A_913 = arith.constant 7.168000e+03 : f32
    %add3A_914 = vector.broadcast %add3A_913 : f32 to vector<256x256xf32>
    %add3A_915 = arith.addf %convert_element_type3A, %add3A_914 : vector<256x256xf32>
    %le3A_916 = vector.broadcast %broadcast_in_dim3A_912 : vector<1x256xf32> to vector<256x256xf32>
    %le3A_917 = arith.cmpf ole, %sub3A_909, %le3A_916 : vector<256x256xf32>
    %jit3A_918 = arith.constant 8.192000e+03 : f32
    %broadcast_in_dim3A_919 = vector.broadcast %jit3A_918 : f32 to vector<256x256xf32>
    %select_n3A_920 = arith.select %le3A_917, %add3A_915, %broadcast_in_dim3A_919 : vector<256x256xi1>, vector<256x256xf32>
    %reduce_min3A_921 = arith.constant dense<0x7F800000> : vector<256xf32>
    %reduce_min3A_922 = vector.multi_reduction <minimumf>, %select_n3A_920, %reduce_min3A_921 [0] : vector<256x256xf32> to vector<256xf32>
    %broadcast_in_dim3A_923 = vector.shape_cast %reduce_min3A_922 : vector<256xf32> to vector<1x256xf32>
    %lt3A_924 = arith.cmpf olt, %broadcast_in_dim3A_912, %select_n3A_893 : vector<1x256xf32>
    %select_n3A_925 = arith.select %lt3A_924, %broadcast_in_dim3A_912, %select_n3A_893 : vector<1x256xi1>, vector<1x256xf32>
    %select_n3A_926 = arith.select %lt3A_924, %broadcast_in_dim3A_923, %select_n3A_894 : vector<1x256xi1>, vector<1x256xf32>
    %get3A_927 = arith.constant 7424 : index
    %get3A_928 = arith.constant 0 : index
    %get3A_929 = vector.load %arg2[%get3A_927, %get3A_928] : memref<8192x64xf32, #tpu.memory_space<vmem>>, vector<256x64xf32>
    %get3A_930 = arith.constant 7424 : index
    %get3A_931 = arith.constant 0 : index
    %get3A_932 = vector.load %arg3[%get3A_930, %get3A_931] : memref<8192x1xf32, #tpu.memory_space<vmem>>, vector<256x1xf32>
    %dot_general3A_933 = arith.constant dense<0.000000e+00> : vector<256x256xf32>
    %dot_general3A_934 = tpu.matmul %get3A_929, %div3A_4, %dot_general3A_933 {dimension_numbers = #tpu.dot_dimension_numbers<[1], [1], [0], [0], [0, 0, 1, 0], [], []>, transpose_lhs_hint = false} : vector<256x64xf32>, vector<256x64xf32>, vector<256x256xf32> -> vector<256x256xf32>
    %add3A_935 = vector.broadcast %transpose3A : vector<1x256xf32> to vector<256x256xf32>
    %add3A_936 = vector.broadcast %get3A_932 : vector<256x1xf32> to vector<256x256xf32>
    %add3A_937 = arith.addf %add3A_935, %add3A_936 : vector<256x256xf32>
    %mul3A_938 = arith.constant 2.000000e+00 : f32
    %mul3A_939 = vector.broadcast %mul3A_938 : f32 to vector<256x256xf32>
    %mul3A_940 = arith.mulf %mul3A_939, %dot_general3A_934 : vector<256x256xf32>
    %sub3A_941 = arith.subf %add3A_937, %mul3A_940 : vector<256x256xf32>
    %reduce_min3A_942 = arith.constant dense<0x7F800000> : vector<256xf32>
    %reduce_min3A_943 = vector.multi_reduction <minimumf>, %sub3A_941, %reduce_min3A_942 [0] : vector<256x256xf32> to vector<256xf32>
    %broadcast_in_dim3A_944 = vector.shape_cast %reduce_min3A_943 : vector<256xf32> to vector<1x256xf32>
    %add3A_945 = arith.constant 7.424000e+03 : f32
    %add3A_946 = vector.broadcast %add3A_945 : f32 to vector<256x256xf32>
    %add3A_947 = arith.addf %convert_element_type3A, %add3A_946 : vector<256x256xf32>
    %le3A_948 = vector.broadcast %broadcast_in_dim3A_944 : vector<1x256xf32> to vector<256x256xf32>
    %le3A_949 = arith.cmpf ole, %sub3A_941, %le3A_948 : vector<256x256xf32>
    %jit3A_950 = arith.constant 8.192000e+03 : f32
    %broadcast_in_dim3A_951 = vector.broadcast %jit3A_950 : f32 to vector<256x256xf32>
    %select_n3A_952 = arith.select %le3A_949, %add3A_947, %broadcast_in_dim3A_951 : vector<256x256xi1>, vector<256x256xf32>
    %reduce_min3A_953 = arith.constant dense<0x7F800000> : vector<256xf32>
    %reduce_min3A_954 = vector.multi_reduction <minimumf>, %select_n3A_952, %reduce_min3A_953 [0] : vector<256x256xf32> to vector<256xf32>
    %broadcast_in_dim3A_955 = vector.shape_cast %reduce_min3A_954 : vector<256xf32> to vector<1x256xf32>
    %lt3A_956 = arith.cmpf olt, %broadcast_in_dim3A_944, %select_n3A_925 : vector<1x256xf32>
    %select_n3A_957 = arith.select %lt3A_956, %broadcast_in_dim3A_944, %select_n3A_925 : vector<1x256xi1>, vector<1x256xf32>
    %select_n3A_958 = arith.select %lt3A_956, %broadcast_in_dim3A_955, %select_n3A_926 : vector<1x256xi1>, vector<1x256xf32>
    %get3A_959 = arith.constant 7680 : index
    %get3A_960 = arith.constant 0 : index
    %get3A_961 = vector.load %arg2[%get3A_959, %get3A_960] : memref<8192x64xf32, #tpu.memory_space<vmem>>, vector<256x64xf32>
    %get3A_962 = arith.constant 7680 : index
    %get3A_963 = arith.constant 0 : index
    %get3A_964 = vector.load %arg3[%get3A_962, %get3A_963] : memref<8192x1xf32, #tpu.memory_space<vmem>>, vector<256x1xf32>
    %dot_general3A_965 = arith.constant dense<0.000000e+00> : vector<256x256xf32>
    %dot_general3A_966 = tpu.matmul %get3A_961, %div3A_4, %dot_general3A_965 {dimension_numbers = #tpu.dot_dimension_numbers<[1], [1], [0], [0], [0, 0, 1, 0], [], []>, transpose_lhs_hint = false} : vector<256x64xf32>, vector<256x64xf32>, vector<256x256xf32> -> vector<256x256xf32>
    %add3A_967 = vector.broadcast %transpose3A : vector<1x256xf32> to vector<256x256xf32>
    %add3A_968 = vector.broadcast %get3A_964 : vector<256x1xf32> to vector<256x256xf32>
    %add3A_969 = arith.addf %add3A_967, %add3A_968 : vector<256x256xf32>
    %mul3A_970 = arith.constant 2.000000e+00 : f32
    %mul3A_971 = vector.broadcast %mul3A_970 : f32 to vector<256x256xf32>
    %mul3A_972 = arith.mulf %mul3A_971, %dot_general3A_966 : vector<256x256xf32>
    %sub3A_973 = arith.subf %add3A_969, %mul3A_972 : vector<256x256xf32>
    %reduce_min3A_974 = arith.constant dense<0x7F800000> : vector<256xf32>
    %reduce_min3A_975 = vector.multi_reduction <minimumf>, %sub3A_973, %reduce_min3A_974 [0] : vector<256x256xf32> to vector<256xf32>
    %broadcast_in_dim3A_976 = vector.shape_cast %reduce_min3A_975 : vector<256xf32> to vector<1x256xf32>
    %add3A_977 = arith.constant 7.680000e+03 : f32
    %add3A_978 = vector.broadcast %add3A_977 : f32 to vector<256x256xf32>
    %add3A_979 = arith.addf %convert_element_type3A, %add3A_978 : vector<256x256xf32>
    %le3A_980 = vector.broadcast %broadcast_in_dim3A_976 : vector<1x256xf32> to vector<256x256xf32>
    %le3A_981 = arith.cmpf ole, %sub3A_973, %le3A_980 : vector<256x256xf32>
    %jit3A_982 = arith.constant 8.192000e+03 : f32
    %broadcast_in_dim3A_983 = vector.broadcast %jit3A_982 : f32 to vector<256x256xf32>
    %select_n3A_984 = arith.select %le3A_981, %add3A_979, %broadcast_in_dim3A_983 : vector<256x256xi1>, vector<256x256xf32>
    %reduce_min3A_985 = arith.constant dense<0x7F800000> : vector<256xf32>
    %reduce_min3A_986 = vector.multi_reduction <minimumf>, %select_n3A_984, %reduce_min3A_985 [0] : vector<256x256xf32> to vector<256xf32>
    %broadcast_in_dim3A_987 = vector.shape_cast %reduce_min3A_986 : vector<256xf32> to vector<1x256xf32>
    %lt3A_988 = arith.cmpf olt, %broadcast_in_dim3A_976, %select_n3A_957 : vector<1x256xf32>
    %select_n3A_989 = arith.select %lt3A_988, %broadcast_in_dim3A_976, %select_n3A_957 : vector<1x256xi1>, vector<1x256xf32>
    %select_n3A_990 = arith.select %lt3A_988, %broadcast_in_dim3A_987, %select_n3A_958 : vector<1x256xi1>, vector<1x256xf32>
    %get3A_991 = arith.constant 7936 : index
    %get3A_992 = arith.constant 0 : index
    %get3A_993 = vector.load %arg2[%get3A_991, %get3A_992] : memref<8192x64xf32, #tpu.memory_space<vmem>>, vector<256x64xf32>
    %get3A_994 = arith.constant 7936 : index
    %get3A_995 = arith.constant 0 : index
    %get3A_996 = vector.load %arg3[%get3A_994, %get3A_995] : memref<8192x1xf32, #tpu.memory_space<vmem>>, vector<256x1xf32>
    %dot_general3A_997 = arith.constant dense<0.000000e+00> : vector<256x256xf32>
    %dot_general3A_998 = tpu.matmul %get3A_993, %div3A_4, %dot_general3A_997 {dimension_numbers = #tpu.dot_dimension_numbers<[1], [1], [0], [0], [0, 0, 1, 0], [], []>, transpose_lhs_hint = false} : vector<256x64xf32>, vector<256x64xf32>, vector<256x256xf32> -> vector<256x256xf32>
    %add3A_999 = vector.broadcast %transpose3A : vector<1x256xf32> to vector<256x256xf32>
    %add3A_1000 = vector.broadcast %get3A_996 : vector<256x1xf32> to vector<256x256xf32>
    %add3A_1001 = arith.addf %add3A_999, %add3A_1000 : vector<256x256xf32>
    %mul3A_1002 = arith.constant 2.000000e+00 : f32
    %mul3A_1003 = vector.broadcast %mul3A_1002 : f32 to vector<256x256xf32>
    %mul3A_1004 = arith.mulf %mul3A_1003, %dot_general3A_998 : vector<256x256xf32>
    %sub3A_1005 = arith.subf %add3A_1001, %mul3A_1004 : vector<256x256xf32>
    %reduce_min3A_1006 = arith.constant dense<0x7F800000> : vector<256xf32>
    %reduce_min3A_1007 = vector.multi_reduction <minimumf>, %sub3A_1005, %reduce_min3A_1006 [0] : vector<256x256xf32> to vector<256xf32>
    %broadcast_in_dim3A_1008 = vector.shape_cast %reduce_min3A_1007 : vector<256xf32> to vector<1x256xf32>
    %add3A_1009 = arith.constant 7.936000e+03 : f32
    %add3A_1010 = vector.broadcast %add3A_1009 : f32 to vector<256x256xf32>
    %add3A_1011 = arith.addf %convert_element_type3A, %add3A_1010 : vector<256x256xf32>
    %le3A_1012 = vector.broadcast %broadcast_in_dim3A_1008 : vector<1x256xf32> to vector<256x256xf32>
    %le3A_1013 = arith.cmpf ole, %sub3A_1005, %le3A_1012 : vector<256x256xf32>
    %jit3A_1014 = arith.constant 8.192000e+03 : f32
    %broadcast_in_dim3A_1015 = vector.broadcast %jit3A_1014 : f32 to vector<256x256xf32>
    %select_n3A_1016 = arith.select %le3A_1013, %add3A_1011, %broadcast_in_dim3A_1015 : vector<256x256xi1>, vector<256x256xf32>
    %reduce_min3A_1017 = arith.constant dense<0x7F800000> : vector<256xf32>
    %reduce_min3A_1018 = vector.multi_reduction <minimumf>, %select_n3A_1016, %reduce_min3A_1017 [0] : vector<256x256xf32> to vector<256xf32>
    %broadcast_in_dim3A_1019 = vector.shape_cast %reduce_min3A_1018 : vector<256xf32> to vector<1x256xf32>
    %lt3A_1020 = arith.cmpf olt, %broadcast_in_dim3A_1008, %select_n3A_989 : vector<1x256xf32>
    %select_n3A_1021 = arith.select %lt3A_1020, %broadcast_in_dim3A_1019, %select_n3A_990 : vector<1x256xi1>, vector<1x256xf32>
    %convert_element_type3A_1022 = arith.fptosi %select_n3A_1021 : vector<1x256xf32> to vector<1x256xi32>
    %reshape3A = vector.shape_cast %convert_element_type3A_1022 : vector<1x256xi32> to vector<1x1x256xi32>
    %swap3A = arith.constant 0 : index
    %swap3A_1023 = arith.constant 0 : index
    %swap3A_1024 = arith.constant 0 : index
    %swap3A_1025 = vector.load %arg4[%swap3A, %swap3A_1023, %swap3A_1024] : memref<1x1x256xi32, #tpu.memory_space<vmem>>, vector<1x1x256xi32>
    tpu.vector_store %arg4[%swap3A, %swap3A_1023, %swap3A_1024], %reshape3A {strides = array<i32>} : memref<1x1x256xi32, #tpu.memory_space<vmem>>, vector<1x1x256xi32>,
    return
  }
  func.func @transform_0(%arg0: i32) -> (i32, i32) {
    %c0_i32 = arith.constant 0 : i32
    %c0_i32_0 = arith.constant 0 : i32
    return %arg0, %c0_i32 : i32, i32
  }
  func.func @transform_1(%arg0: i32) -> (i32, i32) {
    %c0_i32 = arith.constant 0 : i32
    %c0_i32_0 = arith.constant 0 : i32
    %c0_i32_1 = arith.constant 0 : i32
    return %c0_i32, %c0_i32_0 : i32, i32
  }
  func.func @transform_2(%arg0: i32) -> (i32, i32) {
    %c0_i32 = arith.constant 0 : i32
    %c0_i32_0 = arith.constant 0 : i32
    %c0_i32_1 = arith.constant 0 : i32
    return %c0_i32, %c0_i32_0 : i32, i32
  }
  func.func @transform_3(%arg0: i32) -> (i32, i32, i32) {
    %c0_i32 = arith.constant 0 : i32
    %c0_i32_0 = arith.constant 0 : i32
    %c0_i32_1 = arith.constant 0 : i32
    return %arg0, %c0_i32, %c0_i32_0 : i32, i32, i32
  }
}

</mosaic_0001>

<sc_bundles>
// kernel: kernel.5.cloned.1.call-start
scs
__scs_entry_jumppad:
0x0: {  	(pc) =	sbr.rel $0x88, $3  }
0x1: {  	(tag) =	ssettag $0x0;
	lr =	simm.s32 $0x1  }
0x2: {  	[smem:$0x3F9F] =	sst lr;
	_ =	strace $0xD0000000  }
0x3: {  	_ = 	snop  }
0x4: {  	_ = 	snop  }
0x5: {  	_ = 	snop  }
0x6: {  	_ = 	snop  }
0x7: {  	_ = 	snop  }
__scs_overlays_trampoline_lowered:
0x8: {  	[smem:$0x3FAE] =	sst s0  }
0x9: {  	[smem:$0x3FAF] =	sst s1  }
0xa: {  	[smem:$0x3FB0] =	sst s2  }
0xb: {  	[smem:$0x3FB1] =	sst s3  }
0xc: {  	[smem:$0x3FB2] =	sst s4  }
0xd: {  	[smem:$0x3FB3] =	sst s5  }
0xe: {  	[smem:$0x3FB4] =	sst s6  }
0xf: {  	[smem:$0x3FB5] =	sst s7  }
0x10: {  	[smem:$0x3FB6] =	sst s8  }
0x11: {  	[smem:$0x3FB7] =	sst s9;
	s0 =	simm.s32 @!p0 $0x0  }
0x12: {  	s1 =	sld [smem:$0x3F9D];
	s0 =	simm.s32 @p0 $0x1  }
0x13: {  	[smem:$0x3FB8] =	sst s0;
	s0 =	simm.s32 @!p1 $0x0  }
0x14: {  	s2 =	sld [smem:$0x3F9C];
	s0 =	simm.s32 @p1 $0x1  }
0x15: {  	[smem:$0x3FB9] =	sst s0;
	s0 =	simm.s32 @!p2 $0x0  }
0x16: {  	s3 =	sld [smem:$0x3FDB];
	s0 =	simm.s32 @p2 $0x1  }
0x17: {  	s4 =	simm.s32 $0x1BF5;
	[smem:$0x3FBB] =	sst s0  }
0x18: {  	s0 =	sld [smem:$0x3F9E];
	_ =	swait.ge [sflag:s4], $0x0  }
0x19: {  	s7 =	sld [smem:$0x3F9F]  }
0x1a: {  	s8 =	sadd.s32 $0xFFFFE003, lr  }
0x1b: {  	s9 =	sadd.s32 $0xFFFFFEF7, lr;
	s5 =	simm.s32 $0xFFFFFFFF;
	p2 =	slt.u32 s8, $0xFFFFF086  }
0x1c: {  	p1 =	slt.u32 s9, $0xF7A;
	s5 =	simm.s32 @!p2 $0x0  }
0x1d: {  	s5 =	simm.s32 @p1 $0x1;
	p0 =	seq.s32 s7, s2  }
0x1e: {  	s7 =	smul.u32 @!p0 $0xF7A, s2;
	p2 =	seq.s32 @!p0 s5, $0x0  }
0x1f: {  	s9 =	smul.u32 $0xF7A, s1;
	s8 =	simm.s32 @!p0 $0x1BF5;
	p2 =	por !p2, p0  }
0x20: {  	[sflag:s8] =	ssyncset.s32 @!p0 $0xFFFFF086;
	s6 =	sadd.s32 @!p0 s3, s7;
	s7 =	simm.s32 @!p0 $0x108  }
0x21: {  	s3 =	sadd.s32 s3, s9;
	s6 =	sadd.s32 @!p0 $0x88, s6;
	s7 =	simm.s32 @p2 $0x1082  }
0x22: {  	[simem:s7], [sflag:s8] =	dma.local @!p0 [hbm:s6], $0xF7A  }
0x23: {  	s9 =	sor.u32 $0xD0000000, s2;
	s6 =	simm.s32 $0x108;
	_ =	swait.ge @!p0 [sflag:s8], $0x0  }
0x24: {  	s3 =	sadd.s32 $0x88, s3;
	s6 =	simm.s32 @!p1 $0x1082;
	[sflag:s4] =	ssyncset.s32 $0xFFFFF086  }
0x25: {  	[simem:s6], [sflag:s4] =	dma.local [hbm:s3], $0xF7A  }
0x26: {  	[smem:$0x3F9F] =	sst s1;
	(tag) =	ssettag s2;
	_ =	strace s9  }
0x27: {  	s1 =	sld [smem:$0x3FAF]  }
0x28: {  	s2 =	sld [smem:$0x3FB0]  }
0x29: {  	s4 =	sld [smem:$0x3FB2]  }
0x2a: {  	p0 =	seq.s32 s5, $0x0;
	s5 =	sld [smem:$0x3FB3]  }
0x2b: {  	s6 =	sld [smem:$0x3FB4]  }
0x2c: {  	s7 =	sld [smem:$0x3FB5]  }
0x2d: {  	s3 =	simm.s32 $0x108;
	s8 =	sld [smem:$0x3FB6]  }
0x2e: {  	s3 =	simm.s32 @!p0 $0x1082;
	s9 =	sld [smem:$0x3FB7]  }
0x2f: {  	lr =	sadd.s32 s0, s3;
	s0 =	sld [smem:$0x3FAE]  }
0x30: {  	s3 =	sld [smem:$0x3FB1]  }
0x31: {  	[smem:$0x3FBA] =	sst s10  }
0x32: {  	s10 =	sld [smem:$0x3FB8];
	_ =	sdelay $0x3  }
0x33: {  	p0 =	seq.s32 s10, $0x1;
	s10 =	sld [smem:$0x3FBA];
	_ =	sdelay $0x3  }
0x34: {  	[smem:$0x3FBA] =	sst s10  }
0x35: {  	s10 =	sld [smem:$0x3FB9];
	_ =	sdelay $0x3  }
0x36: {  	p1 =	seq.s32 s10, $0x1;
	s10 =	sld [smem:$0x3FBA];
	_ =	sdelay $0x3  }
0x37: {  	[smem:$0x3FBA] =	sst s10  }
0x38: {  	s10 =	sld [smem:$0x3FBB]  }
0x39: {  	_ = 	snop;
	(pc) =	sbr.ind lr, $3  }
0x3a: {  	_ = 	snop  }
0x3b: {  	_ = 	snop  }
0x3c: {  	p2 =	seq.s32 s10, $0x1;
	s10 =	sld [smem:$0x3FBA]  }
0x3d: {  	_ =	shalt  }
0x3e: {  	_ =	shalt  }
0x3f: {  	_ =	shalt  }
0x40: {  	_ =	shalt  }
0x41: {  	_ =	shalt  }
0x42: {  	_ =	shalt  }
0x43: {  	_ =	shalt  }
0x44: {  	_ =	shalt  }
0x45: {  	_ =	shalt  }
0x46: {  	_ =	shalt  }
0x47: {  	_ =	shalt  }
0x48: {  	_ =	shalt  }
0x49: {  	_ =	shalt  }
0x4a: {  	_ =	shalt  }
0x4b: {  	_ =	shalt  }
0x4c: {  	_ =	shalt  }
0x4d: {  	_ =	shalt  }
0x4e: {  	_ =	shalt  }
0x4f: {  	_ =	shalt  }
0x50: {  	_ =	shalt  }
0x51: {  	_ =	shalt  }
0x52: {  	_ =	shalt  }
0x53: {  	_ =	shalt  }
0x54: {  	_ =	shalt  }
0x55: {  	_ =	shalt  }
0x56: {  	_ =	shalt  }
0x57: {  	_ =	shalt  }
0x58: {  	_ =	shalt  }
0x59: {  	_ =	shalt  }
0x5a: {  	_ =	shalt  }
0x5b: {  	_ =	shalt  }
0x5c: {  	_ =	shalt  }
0x5d: {  	_ =	shalt  }
0x5e: {  	_ =	shalt  }
0x5f: {  	_ =	shalt  }
0x60: {  	_ =	shalt  }
0x61: {  	_ =	shalt  }
0x62: {  	_ =	shalt  }
0x63: {  	_ =	shalt  }
0x64: {  	_ =	shalt  }
0x65: {  	_ =	shalt  }
0x66: {  	_ =	shalt  }
0x67: {  	_ =	shalt  }
0x68: {  	_ =	shalt  }
0x69: {  	_ =	shalt  }
0x6a: {  	_ =	shalt  }
0x6b: {  	_ =	shalt  }
0x6c: {  	_ =	shalt  }
0x6d: {  	_ =	shalt  }
0x6e: {  	_ =	shalt  }
0x6f: {  	_ =	shalt  }
0x70: {  	_ =	shalt  }
0x71: {  	_ =	shalt  }
0x72: {  	_ =	shalt  }
0x73: {  	_ =	shalt  }
0x74: {  	_ =	shalt  }
0x75: {  	_ =	shalt  }
0x76: {  	_ =	shalt  }
0x77: {  	_ =	shalt  }
0x78: {  	_ =	shalt  }
0x79: {  	_ =	shalt  }
0x7a: {  	_ =	shalt  }
0x7b: {  	_ =	shalt  }
0x7c: {  	_ =	shalt  }
0x7d: {  	_ =	shalt  }
0x7e: {  	_ =	shalt  }
0x7f: {  	_ =	shalt  }
0x80: {  	_ =	shalt  }
0x81: {  	_ =	shalt  }
0x82: {  	_ =	shalt  }
0x83: {  	_ =	shalt  }
0x84: {  	_ =	shalt  }
0x85: {  	_ =	shalt  }
0x86: {  	_ =	shalt  }
0x87: {  	_ =	shalt  }
.Lfunc_end0:
.L_simem_size_0:
called_computation_lowered:
.L_overlay_start_0:
0x88: {  	s2 =	sld [smem:$0x3FD9]  }
0x89: {  	s3 =	sld [smem:$0x3FFE];
	_ =	sdelay $0x1  }
0x8a: {  	s1 =	srdreg.scid  }
0x8b: {  	s0 =	sand.u32 $0x1, s1  }
0x8c: {  	s14 =	sshll.u32 s0, $0xA;
	s2 =	sadd.s32 s3, s2  }
0x8d: {  	s2 =	sadd.s32 s2, s14  }
0x8e: {  	[smem:$0x3FC6] =	sst s2  }
0x8f: {  	_ = 	snop  }
0x90: {  	s2 =	sld [smem:$0x3FD0];
	_ =	sdelay $0x2  }
0x91: {  	s15 =	simm.s32 $0xA;
	s4 =	simm.s32 $0x10  }
0x92: {  	[smem:s4], [sflag:s15] =	dma.local [hbm:s2], $0x1  }
0x93: {  	_ =	swait.eq [sflag:s15], $0x1  }
0x94: {  	[sflag:s15] =	ssyncset.done $0x0  }
0x95: {  	s16 =	sld [smem:$0x10];
	[sflag:s15] =	ssyncadd.s32 $0xFFFFFFFF  }
0x96: {  	s17 =	sld [smem:$0x12];
	(tm) =	ssettm $0x1  }
0x97: {  	s18 =	sld [smem:$0x3FFB];
	_ =	sdelay $0x3  }
0x98: {  	_ =	strace s18  }
0x99: {  	s4 =	sld [smem:$0x3FFC];
	_ =	sdelay $0x3  }
0x9a: {  	_ =	strace s4  }
0x9b: {  	s4 =	sld [smem:$0x3FFD];
	_ =	sdelay $0x3  }
0x9c: {  	_ =	strace s4  }
0x9d: {  	_ =	strace $0x8FFFFFFF  }
0x9e: {  	s19 =	sld [smem:$0x3FDB];
	_ =	sdelay $0x1  }
0x9f: {  	s5 =	simm.s32 $_scs_section_size  }
0xa0: {  	s6 =	simm.s32 $_size__tile_overlayer_lowered;
	s7 =	simm.s32 $_tile_overlayer_lowered  }
0xa1: {  	s22 =	simm.s32 $0x1BFF;
	s21 =	sshll.u32 s7, $0x1;
	s4 =	sadd.s32 s5, s19  }
0xa2: {  	s8 =	simm.s32 $0x0;
	s20 =	sshll.u32 s6, $0x1;
	s6 =	sadd.s32 s21, s4  }
0xa3: {  	[timem:s8], [sflag:s22] =	dma.local [hbm:s6], s20  }
0xa4: {  	_ =	swait.ge [sflag:s22], s20  }
0xa5: {  	s5 =	ssub.s32 $0x0, s20;
	[sflag:s22] =	ssyncset.done $0x0  }
0xa6: {  	[sflag:s22] =	ssyncadd.s32 s5;
	_ =	sdelay $0x1  }
0xa7: {  	s23 =	simm.s32 $0x1B8B  }
0xa8: {  	_ =	swait.ge [sflag:s23], $0x1  }
0xa9: {  	[sflag:s23] =	ssyncset.done $0x0  }
0xaa: {  	s25 =	simm.s32 $0x1B8E;
	s24 =	sld [smem:$0x3FFE];
	[sflag:s23] =	ssyncadd.s32 $0xFFFFFFFF  }
0xab: {  	s26 =	simm.s32 $execute0_lowered;
	[smem:$0x3FD2] =	sst s25  }
0xac: {  	s6 =	sshll.u32 s26, $0x1;
	_ =	strace $0x80000046;
	[dreg:$0x1] =	wrdreg $0xFFFFFFFF  }
0xad: {  	s28 =	simm.s32 $_size_execute0_lowered;
	s4 =	sadd.s32 s4, s6;
	[dreg:$0x0] =	wrdreg $0x0  }
0xae: {  	s6 =	sshll.u32 s28, $0x1;
	[dreg:$0x2] =	wrdreg s4  }
0xaf: {  	[dreg:$0x3] =	wrdreg s6  }
0xb0: {  	[dreg:$0x4] =	wrdreg $0xC0  }
0xb1: {  	_ =	task [dreg:s8], $0x5FFFF  }
0xb2: {  	[dreg:$0x1] =	wrdreg $0xFFFFFFFF  }
0xb3: {  	[dreg:$0x0] =	wrdreg $0x60  }
0xb4: {  	[dreg:$0x2] =	wrdreg s24  }
0xb5: {  	[dreg:$0x3] =	wrdreg s17  }
0xb6: {  	[dreg:$0x4] =	wrdreg s16  }
0xb7: {  	[dreg:$0x5] =	wrdreg $0x9  }
0xb8: {  	_ =	task.clear_ibuf [dreg:s8], $0x6FFFF;
	_ =	strace $0x90000046  }
0xb9: {  	s29 =	simm.s32 $0x9;
	_ =	strace $0x80000048  }
0xba: {  	_ =	swait.ge [sflag:s29], $0x1  }
0xbb: {  	[sflag:s29] =	ssyncadd.s32 $0xFFFFFFFF  }
0xbc: {  	_ =	strace $0x90000048  }
0xbd: {  	_ =	sfence  }
0xbe: {  	s30 =	sld [smem:$0x0];
	_ =	sdelay $0x2  }
0xbf: {  	s31 =	sshll.u32 s1, $0xD;
	s1 =	sshrl.u32 s1, $0x2  }
0xc0: {  	s3 =	sand.u32 $0x4000, s31;
	s1 =	sadd.s32 s1, s30  }
0xc1: {  	s0 =	sor.u32 s3, s0;
	s1 =	sshll.u32 s1, $0x11  }
0xc2: {  	s0 =	sor.u32 s1, s0  }
0xc3: {  	s0 =	sadd.s32 $0x8F2B, s0  }
0xc4: {  	[sflag:s0] =	ssyncadd.remote.s32 $0x1  }
0xc5: {  	_ =	sfence.sel $0xFFFF  }
0xc6: {  	[dreg:$0x0] =	wrdreg $0xFFFFFFFF;
	(pc) =	sbr.abs _section_cstart, $3  }
0xc7: {  	[dreg:$0x1] =	wrdreg $0xFFFFFFFF  }
0xc8: {  	_ =	task.clear_ibuf [dreg:s8], $0x2FFFF;
	_ =	strace $0x9FFFFFFF  }
0xc9: {  	(tm) =	ssettm $0x7FFFFFFF  }
tec
execute0_lowered:
.L_overlay_start_1:
0x0: {  	(tag) =	ssettag $0x1  }
0x1: {  	s4 =	rddreg [dreg:$0x0]  }
0x2: {  	s5 =	rddreg [dreg:$0x1]  }
0x3: {  	s6 =	rddreg [dreg:$0x2]  }
0x4: {  	s0 =	rddreg [dreg:$0x3];
	s2 =	simm.s32 $0x0;
	s3 =	srdreg.scid  }
0x5: {  	s1 =	stileid.u32;
	s13 =	simm.s32 $0xC0;
	s14 =	simm.s32 $0x3240  }
0x6: {  	s15 =	simm.s32 $0x120;
	s16 =	simm.s32 $0x4A40;
	s17 =	simm.s32 $0x180  }
0x7: {  	s18 =	simm.s32 $0x6240;
	s19 =	simm.s32 $0x1E0;
	s20 =	simm.s32 $0x7A40  }
0x8: {  	s21 =	simm.s32 $0x9240;
	s22 =	simm.s32 $0x1;
	s23 =	simm.s32 $0x12240  }
0x9: {  	s24 =	simm.s32 $0x0;
	s7 =	sand.u32 $0x1, s3;
	s31 =	sshll.u32 s1, $0x1  }
0xa: {  	[smem:$0x7FF] =	sst s2;
	s3 =	sadd.s32 $0x1000, s4;
	s8 =	sor.u32 s7, s31  }
0xb: {  	_ =	strace $0x80000047;
	s7 =	ssub.s32 $0x2, s7;
	s9 =	smul.u32 $0x1200, s8  }
0xc: {  	s10 =	sshll.u32 s8, $0x1;
	s11 =	sshrl.u32 s7, $0x1;
	s8 =	smul.u32 $0x48, s8  }
0xd: {  	s10 =	sadd.s32 s10, s4;
	s11 =	ssub.s32 s7, s11;
	s12 =	sadd.s32 s9, s4  }
0xe: {  	s4 =	sadd.s32 s5, s8;
	s5 =	sadd.s32 s6, s9;
	s7 =	sadd.s32 $0x35000, s10  }
0xf: {  	s8 =	smax.u32 s11, $0x1;
	s9 =	simm.s32 $0x2;
	s10 =	simm.s32 $0x60  }
0x10: {  	s11 =	simm.s32 $0x240;
	s6 =	sadd.s32 $0x11000, s12;
	s12 =	simm.s32 $0x1A40  }
.LBB2_1:
0x11: {  	[tilespmem:s2], [sflag:$0x2] =	stream.linear.gather [hbm4b:s4+s2], $0x240, $0x38;
	[tilespmem:$0x12250] =	vst v63  }
0x12: {  	_ =	swait.ge [sflag:s9], $0x240  }
0x13: {  	[sflag:s9] =	ssyncset.done $0x0  }
0x14: {  	[sflag:s9] =	ssyncadd.s32 $0xFFFFFDC0  }
0x15: {  	[tilespmem:s11], [sflag:$0x1] =	stream.indirect.gather [hbm4b:s3+s10], $0x40, s2, s10, $0xb8;
	[tilespmem:$0x12250] =	vst v63  }
0x16: {  	_ = 	snop  }
0x17: {  	[tilespmem:s12], [sflag:$0x1] =	stream.indirect.gather [hbm4b:s3+s10], $0x40, s10, s10, $0xb8;
	[tilespmem:$0x12250] =	vst v63  }
0x18: {  	_ = 	snop  }
0x19: {  	[tilespmem:s14], [sflag:$0x1] =	stream.indirect.gather [hbm4b:s3+s10], $0x40, s13, s10, $0xb8;
	[tilespmem:$0x12250] =	vst v63  }
0x1a: {  	_ = 	snop  }
0x1b: {  	[tilespmem:s16], [sflag:$0x1] =	stream.indirect.gather [hbm4b:s3+s10], $0x40, s15, s10, $0xb8;
	[tilespmem:$0x12250] =	vst v63  }
0x1c: {  	_ = 	snop  }
0x1d: {  	[tilespmem:s18], [sflag:$0x1] =	stream.indirect.gather [hbm4b:s3+s10], $0x40, s17, s10, $0xb8;
	[tilespmem:$0x12250] =	vst v63  }
0x1e: {  	_ = 	snop  }
0x1f: {  	[tilespmem:s20], [sflag:$0x1] =	stream.indirect.gather [hbm4b:s3+s10], $0x40, s19, s10, $0xb8;
	[tilespmem:$0x12250] =	vst v63  }
0x20: {  	_ = 	snop  }
0x21: {  	[tilespmem:s21], [sflag:$0x2] =	stream.linear.gather [hbm4b:s5+s2], $0x9000, $0x38;
	[tilespmem:$0x12250] =	vst v63  }
0x22: {  	_ =	swait.ge [sflag:s9], $0x9000  }
0x23: {  	[sflag:s9] =	ssyncset.done $0x0  }
0x24: {  	[sflag:s9] =	ssyncadd.s32 $0xFFFF7000  }
0x25: {  	_ =	swait.ge [sflag:s22], $0x1800  }
0x26: {  	[sflag:s22] =	ssyncset.done $0x0  }
0x27: {  	[sflag:s22] =	ssyncadd.s32 $0xFFFFE800  }
0x28: {  	_ =	swait.ge [sflag:s22], $0x1800  }
0x29: {  	[sflag:s22] =	ssyncset.done $0x0  }
0x2a: {  	[sflag:s22] =	ssyncadd.s32 $0xFFFFE800  }
0x2b: {  	_ =	swait.ge [sflag:s22], $0x1800  }
0x2c: {  	[sflag:s22] =	ssyncset.done $0x0  }
0x2d: {  	[sflag:s22] =	ssyncadd.s32 $0xFFFFE800  }
0x2e: {  	_ =	swait.ge [sflag:s22], $0x1800  }
0x2f: {  	[sflag:s22] =	ssyncset.done $0x0  }
0x30: {  	[sflag:s22] =	ssyncadd.s32 $0xFFFFE800  }
0x31: {  	_ =	swait.ge [sflag:s22], $0x1800  }
0x32: {  	[sflag:s22] =	ssyncset.done $0x0  }
0x33: {  	[sflag:s22] =	ssyncadd.s32 $0xFFFFE800  }
0x34: {  	_ =	swait.ge [sflag:s22], $0x1800  }
0x35: {  	[sflag:s22] =	ssyncset.done $0x0  }
0x36: {  	s26 =	simm.s32 $0x0;
	[sflag:s22] =	ssyncadd.s32 $0xFFFFE800  }
0x37: {  	v1 =	vld [tilespmem:s26+$0x9260]  }
0x38: {  	v11 =	vld [tilespmem:s26+$0x9270]  }
0x39: {  	v0 =	vld [tilespmem:s26+$0x260]  }
0x3a: {  	v4 =	vld [tilespmem:s26+$0x9250]  }
0x3b: {  	v2 =	vld [tilespmem:s26+$0x250]  }
0x3c: {  	v6 =	vld [tilespmem:s26+$0x9240]  }
0x3d: {  	v5 =	vld [tilespmem:s26+$0x240]  }
0x3e: {  	v7 =	vld [tilespmem:s26+$0x270]  }
0x3f: {  	v3 =	vsub.f32 v0, v1  }
0x40: {  	s25 =	simm.s32 $0x40;
	v8 =	vsub.f32 v2, v4  }
0x41: {  	v0 =	vld [tilespmem:s25+$0x9260];
	v9 =	vadd.f32 v3, v1  }
0x42: {  	v2 =	vld [tilespmem:s25+$0x9270];
	v10 =	vsub.f32 v5, v6;
	v12 =	vadd.f32 v8, v4  }
0x43: {  	v1 =	vld [tilespmem:s25+$0x9250];
	v4 =	vsub.f32 v7, v11;
	[tilespmem:s26+$0x260] =	vst v9  }
0x44: {  	v9 =	vadd.f32 v10, v6;
	v10 =	vmul.f32 v10, v10;
	v5 =	vld [tilespmem:s25+$0x260];
	[tilespmem:s26+$0x250] =	vst v12  }
0x45: {  	s28 =	simm.s32 $0x200;
	v7 =	vimm.f32 $0.0e+00;
	v8 =	vmul.f32 v8, v8;
	v11 =	vadd.f32 v4, v11;
	v6 =	vld [tilespmem:s25+$0x250]  }
.LBB2_2:
0x46: {  	p0 =	sne.s32 s28, $0x23F00;
	v12 =	vld [tilespmem:s25+$0x9240];
	[tilespmem:s26+$0x240] =	vst v9;
	v7 =	vadd.f32 v10, v7;
	s29 =	smov.u32 s28;
	s28 =	sadd.s32 $0x100, s28  }
0x47: {  	v9 =	vld [tilespmem:s25+$0x240];
	[tilespmem:s26+$0x270] =	vst v11;
	v11 =	vmov v2;
	s26 =	smov.u32 s25  }
0x48: {  	v10 =	vld [tilespmem:s26+$0x270];
	v2 =	vadd.f32 v8, v7;
	v7 =	vmul.f32 v3, v3  }
0x49: {  	v3 =	vsub.f32 v5, v0  }
0x4a: {  	s25 =	sshra.s32 s29, $0x2;
	v8 =	vsub.f32 v6, v1;
	v5 =	vadd.f32 v7, v2;
	v6 =	vmul.f32 v4, v4  }
.Ltmp0:
0x4b: {  	v4 =	vadd.f32 v3, v0;
	v0 =	vld [tilespmem:s25+$0x9260];
	(pc) =	sbr.rel @p0 .LBB2_2-.Ltmp0, $4  }
0x4c: {  	v2 =	vld [tilespmem:s25+$0x9270];
	v13 =	vsub.f32 v9, v12;
	v14 =	vadd.f32 v8, v1  }
0x4d: {  	v7 =	vadd.f32 v6, v5;
	v1 =	vld [tilespmem:s25+$0x9250];
	[tilespmem:s26+$0x260] =	vst v4;
	v4 =	vsub.f32 v10, v11  }
0x4e: {  	v5 =	vld [tilespmem:s25+$0x260];
	v9 =	vadd.f32 v13, v12;
	v10 =	vmul.f32 v13, v13;
	[tilespmem:s26+$0x250] =	vst v14  }
0x4f: {  	v8 =	vmul.f32 v8, v8;
	v6 =	vld [tilespmem:s25+$0x250];
	v11 =	vadd.f32 v4, v11  }
0x50: {  	v12 =	vld [tilespmem:s25+$0x9240];
	[tilespmem:s26+$0x240] =	vst v9  }
0x51: {  	v9 =	vld [tilespmem:s25+$0x240]  }
0x52: {  	v7 =	vadd.f32 v10, v7;
	_ =	sdelay $0x1  }
0x53: {  	v3 =	vmul.f32 v3, v3;
	v7 =	vadd.f32 v8, v7;
	_ =	sdelay $0x1  }
0x54: {  	v4 =	vmul.f32 v4, v4;
	[tilespmem:s26+$0x270] =	vst v11;
	v3 =	vadd.f32 v3, v7;
	v55 =	vsub.f32 v9, v12  }
0x55: {  	v56 =	vld [tilespmem:s25+$0x270]  }
0x56: {  	v6 =	vsub.f32 v6, v1;
	v3 =	vadd.f32 v4, v3;
	v57 =	vmul.f32 v55, v55  }
0x57: {  	v5 =	vsub.f32 v5, v0  }
0x58: {  	v58 =	vmul.f32 v6, v6;
	v3 =	vadd.f32 v57, v3  }
0x59: {  	v0 =	vadd.f32 v5, v0  }
0x5a: {  	v5 =	vmul.f32 v5, v5;
	v59 =	vsub.f32 v56, v2;
	v3 =	vadd.f32 v58, v3  }
0x5b: {  	v1 =	vadd.f32 v6, v1  }
0x5c: {  	[tilespmem:s25+$0x260] =	vst v0;
	v60 =	vadd.f32 v55, v12;
	v61 =	vmul.f32 v59, v59;
	v3 =	vadd.f32 v5, v3  }
0x5d: {  	[tilespmem:s25+$0x250] =	vst v1;
	v62 =	vadd.f32 v59, v2  }
0x5e: {  	[tilespmem:s25+$0x240] =	vst v60;
	v63 =	vadd.f32 v61, v3  }
0x5f: {  	[tilespmem:s25+$0x270] =	vst v62  }
0x60: {  	[tilespmem:$0x12240] =	vst v63  }
0x61: {  	[hbm4b:s6+s2] =	stream.linear.scatter [tilespmem:s11], [sflag:$0x2], $0x9000, $0x38;
	[tilespmem:$0x12250] =	vst v63  }
0x62: {  	s24 =	sadd.s32 $0x1, s24;
	_ =	swait.ge [sflag:s9], $0x9000  }
0x63: {  	p0 =	sne.s32 s24, s8;
	[sflag:s9] =	ssyncset.done $0x0  }
.Ltmp1:
0x64: {  	[sflag:s9] =	ssyncadd.s32 $0xFFFF7000;
	(pc) =	sbr.rel @p0 .LBB2_1-.Ltmp1, $4  }
0x65: {  	[hbm4b:s7+s2] =	stream.linear.scatter [tilespmem:s23], [sflag:$0x2], $0x10, $0x38;
	[tilespmem:$0x12250] =	vst v63  }
0x66: {  	_ =	swait.ge [sflag:s9], $0x10  }
0x67: {  	[sflag:s9] =	ssyncset.done $0x0  }
0x68: {  	[sflag:s9] =	ssyncadd.s32 $0xFFFFFFF0  }
0x69: {  	_ =	sfence.sel $0x180000  }
0x6a: {  	[bflag:$0x0] =	sbarrier.arrive $0xFFFF  }
0x6b: {  	p0 =	sne.s32 s1, $0x0;
	_ =	strace $0x90000047  }
0x6c: {  	s0 =	sadd.s32 @!p0 $0x100000, s0;
	[bflag:$0x2] =	sbarrier.arrive $0xFFFF  }
0x6d: {  	[sflag:s0] =	ssyncadd.tile.s32 @!p0 $0x1;
	_ =	shalt  }
.Lfunc_end2:
_tile_overlayer_lowered:
.L_overlay_start_2:
0x6e: {  	(tag) =	ssettag $0x2  }
0x6f: {  	s0 =	rddreg [dreg:$0x0];
	s2 =	stileid.u32  }
0x70: {  	s1 =	rddreg [dreg:$0x1];
	p0 =	sne.s32 s2, $0x0  }
0x71: {  	s3 =	rddreg [dreg:$0x2];
	[bflag:$0x3] =	sbarrier.arrive $0xFFFF;
	s2 =	simm.s32 @!p0 $0x1C02  }
0x72: {  	[timem:s3], [sflag:s2] =	dma.local @!p0 [hbm:s0], s1  }
0x73: {  	s0 =	simm.s32 @!p0 $0x2  }
0x74: {  	_ =	swait.ge @!p0 [sflag:s0], s1  }
0x75: {  	s1 =	ssub.s32 @!p0 $0x0, s1;
	[sflag:s0] =	ssyncset.done @!p0 $0x0  }
0x76: {  	[sflag:s0] =	ssyncadd.s32 @!p0 s1  }
0x77: {  	[bflag:$0x3] =	sbarrier.arrive $0xFFFF  }
0x78: {  	_ =	shalt  }

</sc_bundles>
